<compile_context>
chip_gen: v7x
topology: tpu7x:2x2x1
jax: 0.10.2.dev20260603
libtpu: 0.0.44.dev20260713+nightly
codegen_flags: <defaults>
</compile_context>

<pallas_src>
import functools

import jax
import jax.numpy as jnp
from jax import lax
from jax.experimental import pallas as pl
from jax.experimental.pallas import tpu as pltpu
from jax.experimental.pallas import tpu_sc as plsc

NC = 2
NS = 16
NW = NC * NS
CHUNK = 128


def _make_sc_agg(n_nodes, d, nchunk, acc_rows):
    mesh = plsc.VectorSubcoreMesh(core_axis_name="c", subcore_axis_name="s")
    rows_per_tile = acc_rows // NS

    @functools.partial(
        pl.kernel,
        mesh=mesh,
        out_type=jax.ShapeDtypeStruct((NC * acc_rows, d), jnp.float32),
        scratch_types=[
            pltpu.VMEM((nchunk, CHUNK), jnp.int32),
            pltpu.VMEM((nchunk, CHUNK), jnp.int32),
            pltpu.VMEM((CHUNK, d), jnp.float32),
            pltpu.VMEM_SHARED((acc_rows, d), jnp.float32),
            pltpu.SemaphoreType.DMA,
        ],
    )
    def agg(table_hbm, src_hbm, dst_hbm, out_hbm, src_v, dst_v, rows_v,
            acc_sh, sem):
        c = lax.axis_index("c")
        s = lax.axis_index("s")
        wid = s * NC + c

        pltpu.sync_copy(src_hbm.at[wid], src_v)
        pltpu.sync_copy(dst_hbm.at[wid], dst_v)

        zeros = jnp.zeros((16,), jnp.float32)

        def zb(i, carry):
            rows_v[i // (d // 16), pl.ds((i % (d // 16)) * 16, 16)] = zeros
            return carry

        lax.fori_loop(0, CHUNK * (d // 16), zb, 0)
        full, rem = divmod(rows_per_tile, CHUNK)
        for blk in range(full):
            pltpu.sync_copy(
                rows_v, acc_sh.at[pl.ds(s * rows_per_tile + blk * CHUNK, CHUNK)]
            )
        if rem:
            pltpu.sync_copy(
                rows_v.at[pl.ds(0, rem)],
                acc_sh.at[pl.ds(s * rows_per_tile + full * CHUNK, rem)],
            )
        plsc.subcore_barrier()

        def body(j, carry):
            pltpu.async_copy(table_hbm.at[src_v.at[j]], rows_v, sem).wait()
            pltpu.sync_copy(rows_v, acc_sh.at[dst_v.at[j]], add=True)
            return carry

        lax.fori_loop(0, nchunk, body, 0)
        plsc.subcore_barrier()

        pltpu.sync_copy(
            acc_sh.at[pl.ds(s * rows_per_tile, rows_per_tile)],
            out_hbm.at[pl.ds(c * acc_rows + s * rows_per_tile, rows_per_tile)],
        )

    return agg


def _mlp_body(x_ref, p0_ref, p1_ref, w1_ref, b1_ref, w2_ref, b2_ref, o_ref,
              *, relu_out):
    z = x_ref[...] + p0_ref[...] + p1_ref[...]
    h = jnp.dot(z, w1_ref[...], preferred_element_type=jnp.float32) + b1_ref[...]
    h = jnp.maximum(h, 0.0)
    o = jnp.dot(h, w2_ref[...], preferred_element_type=jnp.float32) + b2_ref[...]
    o_ref[...] = jnp.maximum(o, 0.0) if relu_out else o


def _make_tc_mlp(n_nodes, d, relu_out, block_rows=1000):
    grid = (n_nodes // block_rows,)
    row_spec = pl.BlockSpec((block_rows, d), lambda i: (i, 0))
    full_spec = pl.BlockSpec((d, d), lambda i: (0, 0))
    bias_spec = pl.BlockSpec((1, d), lambda i: (0, 0))
    return pl.pallas_call(
        functools.partial(_mlp_body, relu_out=relu_out),
        grid=grid,
        in_specs=[row_spec, row_spec, row_spec,
                  full_spec, bias_spec, full_spec, bias_spec],
        out_specs=row_spec,
        out_shape=jax.ShapeDtypeStruct((n_nodes, d), jnp.float32),
    )


def kernel(x, edge_index, W1a, b1a, W2a, b2a, W1b, b1b, W2b, b2b):
    n_nodes, d = x.shape
    n_edges = edge_index.shape[1]

    epw = -(-n_edges // (NW * CHUNK)) * CHUNK
    e_pad = epw * NW
    nchunk = epw // CHUNK
    acc_rows = -(-(n_nodes + 1) // (NS * 8)) * (NS * 8)

    pad = e_pad - n_edges
    pad_dst = n_nodes + jnp.arange(pad, dtype=jnp.int32) % (acc_rows - n_nodes)
    src = jnp.concatenate(
        [edge_index[0], jnp.zeros((pad,), jnp.int32)]).reshape(NW, nchunk, CHUNK)
    dst = jnp.concatenate(
        [edge_index[1], pad_dst]).reshape(NW, nchunk, CHUNK)

    sc_agg = _make_sc_agg(n_nodes, d, nchunk, acc_rows)
    mlp1 = _make_tc_mlp(n_nodes, d, relu_out=True)
    mlp2 = _make_tc_mlp(n_nodes, d, relu_out=False)

    b1a_, b2a_ = b1a.reshape(1, d), b2a.reshape(1, d)
    b1b_, b2b_ = b1b.reshape(1, d), b2b.reshape(1, d)

    parts = sc_agg(x, src, dst)
    h1 = mlp1(x, parts[:n_nodes], parts[acc_rows:acc_rows + n_nodes],
              W1a, b1a_, W2a, b2a_)
    parts2 = sc_agg(h1, src, dst)
    out = mlp2(h1, parts2[:n_nodes], parts2[acc_rows:acc_rows + n_nodes],
               W1b, b1b_, W2b, b2b_)
    return out

# --- scband reference (transcript-rebuilt; emitter-appended) ---
"""Pipeline reference for scband-ginencoder-77618648973478 (READ-ONLY COPY).

The authoritative reference and input builder live on the scoring server;
editing this copy changes nothing except your own understanding.
"""

import jax, jax.numpy as jnp
import numpy as np

N, E, D_IN, D_HID, D_OUT = 10000, 320000, 128, 128, 128


def setup_inputs(seed: int = 0) -> dict:
    key = jax.random.key(seed)
    ks = jax.random.split(key, 12)
    x = jax.random.normal(ks[0], (N, D_IN), dtype=jnp.float32)
    edge_index = jax.random.randint(ks[1], (2, E), 0, N, dtype=jnp.int32)
    # GINConv layer 1 MLP: Linear(D_IN, D_HID) -> ReLU -> Linear(D_HID, D_HID)
    W1a = jax.random.normal(ks[2], (D_IN, D_HID), dtype=jnp.float32) * 0.05
    b1a = jax.random.normal(ks[3], (D_HID,), dtype=jnp.float32) * 0.05
    W2a = jax.random.normal(ks[4], (D_HID, D_HID), dtype=jnp.float32) * 0.05
    b2a = jax.random.normal(ks[5], (D_HID,), dtype=jnp.float32) * 0.05
    # GINConv layer 2 MLP: Linear(D_HID, D_HID) -> ReLU -> Linear(D_HID, D_OUT)
    W1b = jax.random.normal(ks[6], (D_HID, D_HID), dtype=jnp.float32) * 0.05
    b1b = jax.random.normal(ks[7], (D_HID,), dtype=jnp.float32) * 0.05
    W2b = jax.random.normal(ks[8], (D_HID, D_OUT), dtype=jnp.float32) * 0.05
    b2b = jax.random.normal(ks[9], (D_OUT,), dtype=jnp.float32) * 0.05
    return {"x": x, "edge_index": edge_index, "W1a": W1a, "b1a": b1a, "W2a": W2a, "b2a": b2a, "W1b": W1b, "b1b": b1b, "W2b": W2b, "b2b": b2b}


def _gin_conv(h, edge_index, W1, b1, W2, b2, eps=0.0):
    # GIN: MLP((1 + eps) * x_i + sum_{j in N(i)} x_j); default eps=0, not trained
    src = edge_index[0]
    dst = edge_index[1]
    msgs = jnp.take(h, src, axis=0)  # gather (SparseCore)
    agg = jax.ops.segment_sum(msgs, dst, num_segments=h.shape[0])  # scatter-add
    z = (1.0 + eps) * h + agg
    z = jnp.maximum(jnp.dot(z, W1) + b1, 0.0)
    return jnp.dot(z, W2) + b2


def reference(x, edge_index, W1a, b1a, W2a, b2a, W1b, b1b, W2b, b2b):
    h = _gin_conv(x, edge_index, W1a, b1a, W2a, b2a)
    h = jnp.maximum(h, 0.0)  # inter-layer ReLU (dropout=0.0)
    h = _gin_conv(h, edge_index, W1b, b1b, W2b, b2b)
    return h

if __name__ == "__main__":
    import jax
    _d = setup_inputs()
    print(jax.jit(kernel)(*tuple(_d.values())))

</pallas_src>

<mosaic_0001>
#map = affine_map<(d0, d1) -> (0, 0)>
#map1 = affine_map<(d0, d1) -> (0, 0, 0)>
module attributes {stable_mosaic.version = 14 : i64} {
  func.func @agg(%arg0: i32, %arg1: i32, %arg2: memref<10000x128xf32, #tpu.memory_space<hbm>>, %arg3: memref<32x79x128xi32, #tpu.memory_space<hbm>>, %arg4: memref<32x79x128xi32, #tpu.memory_space<hbm>>, %arg5: memref<20224x128xf32, #tpu.memory_space<hbm>>, %arg6: memref<79x128xi32, #tpu.memory_space<vmem>>, %arg7: memref<79x128xi32, #tpu.memory_space<vmem>>, %arg8: memref<128x128xf32, #tpu.memory_space<vmem>>, %arg9: memref<10112x128xf32, #tpu.memory_space<vmem_shared>>, %arg10: memref<!tpu.dma_semaphore, #tpu.memory_space<semaphore_mem>>) attributes {dimension_semantics = [#tpu.dimension_semantics<core_parallel>, #tpu.dimension_semantics<subcore_parallel>], iteration_bounds = array<i64: 2, 16>, scalar_prefetch = 0 : i64, scratch_operands = 5 : i64, tpu.core_type = #tpu.core_type<sc_vector_subcore>, window_params = [{transform_indices = #map}, {transform_indices = #map1}, {transform_indices = #map1}, {transform_indices = #map}]} {
    %mul3A = arith.constant 2 : i32
    %mul3A_0 = arith.muli %arg1, %mul3A : i32
    %add3A = arith.addi %mul3A_0, %arg0 : i32
    "tpu.region"() ({
      %run_scoped3A = tpu.sem_alloc : memref<!tpu.dma_semaphore, #tpu.memory_space<semaphore_mem>>
      %dma_start3A = arith.constant 0 : i32
      %dma_start3A_41 = arith.constant 0 : i32
      %dma_start3A_42 = tpu.memref_slice %arg3[%add3A, %dma_start3A, %dma_start3A_41] : memref<32x79x128xi32, #tpu.memory_space<hbm>> -> memref<1x79x128xi32, #tpu.memory_space<hbm>>
      %dma_start3A_43 = tpu.memref_squeeze %dma_start3A_42 : memref<1x79x128xi32, #tpu.memory_space<hbm>> -> memref<79x128xi32, #tpu.memory_space<hbm>>
      %dma_start3A_44 = arith.constant 0 : i32
      %dma_start3A_45 = arith.constant 0 : i32
      %dma_start3A_46 = tpu.memref_slice %arg3[%add3A, %dma_start3A_44, %dma_start3A_45] : memref<32x79x128xi32, #tpu.memory_space<hbm>> -> memref<1x79x128xi32, #tpu.memory_space<hbm>>
      %dma_start3A_47 = tpu.memref_squeeze %dma_start3A_46 : memref<1x79x128xi32, #tpu.memory_space<hbm>> -> memref<79x128xi32, #tpu.memory_space<hbm>>
      tpu.enqueue_dma source(%dma_start3A_47 : memref<79x128xi32, #tpu.memory_space<hbm>>) target(%arg6 : memref<79x128xi32, #tpu.memory_space<vmem>>) target_semaphore(%run_scoped3A : memref<!tpu.dma_semaphore, #tpu.memory_space<semaphore_mem>>)
      %dma_wait3A = arith.constant 0 : i32
      %dma_wait3A_48 = arith.constant 0 : i32
      %dma_wait3A_49 = tpu.memref_slice %arg3[%add3A, %dma_wait3A, %dma_wait3A_48] : memref<32x79x128xi32, #tpu.memory_space<hbm>> -> memref<1x79x128xi32, #tpu.memory_space<hbm>>
      %dma_wait3A_50 = tpu.memref_squeeze %dma_wait3A_49 : memref<1x79x128xi32, #tpu.memory_space<hbm>> -> memref<79x128xi32, #tpu.memory_space<hbm>>
      %dma_wait3A_51 = arith.constant 0 : i32
      %dma_wait3A_52 = arith.constant 0 : i32
      %dma_wait3A_53 = tpu.memref_slice %arg3[%add3A, %dma_wait3A_51, %dma_wait3A_52] : memref<32x79x128xi32, #tpu.memory_space<hbm>> -> memref<1x79x128xi32, #tpu.memory_space<hbm>>
      %dma_wait3A_54 = tpu.memref_squeeze %dma_wait3A_53 : memref<1x79x128xi32, #tpu.memory_space<hbm>> -> memref<79x128xi32, #tpu.memory_space<hbm>>
      tpu.wait_dma2 semaphore(%run_scoped3A : memref<!tpu.dma_semaphore, #tpu.memory_space<semaphore_mem>>) src(%dma_wait3A_54 : memref<79x128xi32, #tpu.memory_space<hbm>>) dst(%arg6 : memref<79x128xi32, #tpu.memory_space<vmem>>)
      tpu.yield
    }) : () -> ()
    "tpu.region"() ({
      %run_scoped3A = tpu.sem_alloc : memref<!tpu.dma_semaphore, #tpu.memory_space<semaphore_mem>>
      %dma_start3A = arith.constant 0 : i32
      %dma_start3A_41 = arith.constant 0 : i32
      %dma_start3A_42 = tpu.memref_slice %arg4[%add3A, %dma_start3A, %dma_start3A_41] : memref<32x79x128xi32, #tpu.memory_space<hbm>> -> memref<1x79x128xi32, #tpu.memory_space<hbm>>
      %dma_start3A_43 = tpu.memref_squeeze %dma_start3A_42 : memref<1x79x128xi32, #tpu.memory_space<hbm>> -> memref<79x128xi32, #tpu.memory_space<hbm>>
      %dma_start3A_44 = arith.constant 0 : i32
      %dma_start3A_45 = arith.constant 0 : i32
      %dma_start3A_46 = tpu.memref_slice %arg4[%add3A, %dma_start3A_44, %dma_start3A_45] : memref<32x79x128xi32, #tpu.memory_space<hbm>> -> memref<1x79x128xi32, #tpu.memory_space<hbm>>
      %dma_start3A_47 = tpu.memref_squeeze %dma_start3A_46 : memref<1x79x128xi32, #tpu.memory_space<hbm>> -> memref<79x128xi32, #tpu.memory_space<hbm>>
      tpu.enqueue_dma source(%dma_start3A_47 : memref<79x128xi32, #tpu.memory_space<hbm>>) target(%arg7 : memref<79x128xi32, #tpu.memory_space<vmem>>) target_semaphore(%run_scoped3A : memref<!tpu.dma_semaphore, #tpu.memory_space<semaphore_mem>>)
      %dma_wait3A = arith.constant 0 : i32
      %dma_wait3A_48 = arith.constant 0 : i32
      %dma_wait3A_49 = tpu.memref_slice %arg4[%add3A, %dma_wait3A, %dma_wait3A_48] : memref<32x79x128xi32, #tpu.memory_space<hbm>> -> memref<1x79x128xi32, #tpu.memory_space<hbm>>
      %dma_wait3A_50 = tpu.memref_squeeze %dma_wait3A_49 : memref<1x79x128xi32, #tpu.memory_space<hbm>> -> memref<79x128xi32, #tpu.memory_space<hbm>>
      %dma_wait3A_51 = arith.constant 0 : i32
      %dma_wait3A_52 = arith.constant 0 : i32
      %dma_wait3A_53 = tpu.memref_slice %arg4[%add3A, %dma_wait3A_51, %dma_wait3A_52] : memref<32x79x128xi32, #tpu.memory_space<hbm>> -> memref<1x79x128xi32, #tpu.memory_space<hbm>>
      %dma_wait3A_54 = tpu.memref_squeeze %dma_wait3A_53 : memref<1x79x128xi32, #tpu.memory_space<hbm>> -> memref<79x128xi32, #tpu.memory_space<hbm>>
      tpu.wait_dma2 semaphore(%run_scoped3A : memref<!tpu.dma_semaphore, #tpu.memory_space<semaphore_mem>>) src(%dma_wait3A_54 : memref<79x128xi32, #tpu.memory_space<hbm>>) dst(%arg7 : memref<79x128xi32, #tpu.memory_space<vmem>>)
      tpu.yield
    }) : () -> ()
    %broadcast_in_dim3A = arith.constant 0.000000e+00 : f32
    %broadcast_in_dim3A_1 = vector.broadcast %broadcast_in_dim3A : f32 to vector<16xf32>
    %scan3A = arith.constant 0 : i32
    %scan3A_2 = arith.constant 0 : i32
    %scan3A_3 = arith.constant 1024 : i32
    %scan3A_4 = arith.addi %scan3A_2, %scan3A_3 : i32
    %scan3A_5 = arith.constant 1 : i32
    scf.for %scan3A_41 = %scan3A_2 to %scan3A_4 step %scan3A_5  : i32 {
      %jit3A = arith.constant 8 : i32
      %div3A = arith.divsi %scan3A_41, %jit3A : i32
      %sign3A = arith.constant 0 : i32
      %sign3A_42 = arith.cmpi sgt, %scan3A_41, %sign3A : i32
      %sign3A_43 = arith.extui %sign3A_42 : i1 to i32
      %sign3A_44 = arith.constant 0 : i32
      %sign3A_45 = arith.cmpi slt, %scan3A_41, %sign3A_44 : i32
      %sign3A_46 = arith.extui %sign3A_45 : i1 to i32
      %sign3A_47 = arith.subi %sign3A_43, %sign3A_46 : i32
      %sign3A_48 = arith.constant 0 : i32
      %sign3A_49 = arith.cmpi sgt, %jit3A, %sign3A_48 : i32
      %sign3A_50 = arith.extui %sign3A_49 : i1 to i32
      %sign3A_51 = arith.constant 0 : i32
      %sign3A_52 = arith.cmpi slt, %jit3A, %sign3A_51 : i32
      %sign3A_53 = arith.extui %sign3A_52 : i1 to i32
      %sign3A_54 = arith.subi %sign3A_50, %sign3A_53 : i32
      %ne3A = arith.cmpi ne, %sign3A_47, %sign3A_54 : i32
      %rem3A = arith.remsi %scan3A_41, %jit3A : i32
      %ne3A_55 = arith.constant 0 : i32
      %ne3A_56 = arith.cmpi ne, %rem3A, %ne3A_55 : i32
      %and3A = arith.andi %ne3A, %ne3A_56 : i1
      %sub3A = arith.constant 1 : i32
      %sub3A_57 = arith.subi %div3A, %sub3A : i32
      %select_n3A = arith.select %and3A, %sub3A_57, %div3A : i32
      %jit3A_58 = arith.constant 8 : i32
      %eq3A = arith.constant 0 : i32
      %eq3A_59 = arith.cmpi eq, %jit3A_58, %eq3A : i32
      %jit3A_60 = arith.constant 1 : i32
      %select_n3A_61 = arith.select %eq3A_59, %jit3A_60, %jit3A_58 : i32
      %rem3A_62 = arith.remsi %scan3A_41, %select_n3A_61 : i32
      %ne3A_63 = arith.constant 0 : i32
      %ne3A_64 = arith.cmpi ne, %rem3A_62, %ne3A_63 : i32
      %lt3A = arith.constant 0 : i32
      %lt3A_65 = arith.cmpi slt, %rem3A_62, %lt3A : i32
      %lt3A_66 = arith.constant 0 : i32
      %lt3A_67 = arith.cmpi slt, %select_n3A_61, %lt3A_66 : i32
      %ne3A_68 = arith.xori %lt3A_65, %lt3A_67 : i1
      %and3A_69 = arith.andi %ne3A_68, %ne3A_64 : i1
      %add3A_70 = arith.addi %rem3A_62, %select_n3A_61 : i32
      %select_n3A_71 = arith.select %and3A_69, %add3A_70, %rem3A_62 : i32
      %mul3A_72 = arith.constant 16 : i32
      %mul3A_73 = arith.muli %select_n3A_71, %mul3A_72 : i32
      %swap3A = arith.index_cast %select_n3A : i32 to index
      %swap3A_74 = arith.index_cast %mul3A_73 : i32 to index
      %swap3A_75 = tpu.vector_load %arg8[%swap3A, %swap3A_74] {strides = array<i32>} : memref<128x128xf32, #tpu.memory_space<vmem>>, vector<1x16xf32>,
      %swap3A_76 = vector.shape_cast %swap3A_75 : vector<1x16xf32> to vector<16xf32>
      %swap3A_77 = vector.shape_cast %broadcast_in_dim3A_1 : vector<16xf32> to vector<1x16xf32>
      tpu.vector_store %arg8[%swap3A, %swap3A_74], %swap3A_77 {strides = array<i32>} : memref<128x128xf32, #tpu.memory_space<vmem>>, vector<1x16xf32>,
    }
    %scan3A_6 = arith.constant 1024 : i32
    %mul3A_7 = arith.constant 632 : i32
    %mul3A_8 = arith.muli %arg1, %mul3A_7 : i32
    %add3A_9 = arith.constant 0 : i32
    %add3A_10 = arith.addi %mul3A_8, %add3A_9 : i32
    "tpu.region"() ({
      %run_scoped3A = tpu.sem_alloc : memref<!tpu.dma_semaphore, #tpu.memory_space<semaphore_mem>>
      %dma_start3A = arith.constant 0 : i32
      %dma_start3A_41 = tpu.memref_slice %arg9[%add3A_10, %dma_start3A] : memref<10112x128xf32, #tpu.memory_space<vmem_shared>> -> memref<128x128xf32, #tpu.memory_space<vmem_shared>>
      %dma_start3A_42 = arith.constant 0 : i32
      %dma_start3A_43 = tpu.memref_slice %arg9[%add3A_10, %dma_start3A_42] : memref<10112x128xf32, #tpu.memory_space<vmem_shared>> -> memref<128x128xf32, #tpu.memory_space<vmem_shared>>
      tpu.enqueue_dma source(%arg8 : memref<128x128xf32, #tpu.memory_space<vmem>>) target(%dma_start3A_43 : memref<128x128xf32, #tpu.memory_space<vmem_shared>>) target_semaphore(%run_scoped3A : memref<!tpu.dma_semaphore, #tpu.memory_space<semaphore_mem>>)
      %dma_wait3A = arith.constant 0 : i32
      %dma_wait3A_44 = tpu.memref_slice %arg9[%add3A_10, %dma_wait3A] : memref<10112x128xf32, #tpu.memory_space<vmem_shared>> -> memref<128x128xf32, #tpu.memory_space<vmem_shared>>
      %dma_wait3A_45 = arith.constant 0 : i32
      %dma_wait3A_46 = tpu.memref_slice %arg9[%add3A_10, %dma_wait3A_45] : memref<10112x128xf32, #tpu.memory_space<vmem_shared>> -> memref<128x128xf32, #tpu.memory_space<vmem_shared>>
      tpu.wait_dma2 semaphore(%run_scoped3A : memref<!tpu.dma_semaphore, #tpu.memory_space<semaphore_mem>>) src(%arg8 : memref<128x128xf32, #tpu.memory_space<vmem>>) dst(%dma_wait3A_46 : memref<128x128xf32, #tpu.memory_space<vmem_shared>>)
      tpu.yield
    }) : () -> ()
    %mul3A_11 = arith.constant 632 : i32
    %mul3A_12 = arith.muli %arg1, %mul3A_11 : i32
    %add3A_13 = arith.constant 128 : i32
    %add3A_14 = arith.addi %mul3A_12, %add3A_13 : i32
    "tpu.region"() ({
      %run_scoped3A = tpu.sem_alloc : memref<!tpu.dma_semaphore, #tpu.memory_space<semaphore_mem>>
      %dma_start3A = arith.constant 0 : i32
      %dma_start3A_41 = tpu.memref_slice %arg9[%add3A_14, %dma_start3A] : memref<10112x128xf32, #tpu.memory_space<vmem_shared>> -> memref<128x128xf32, #tpu.memory_space<vmem_shared>>
      %dma_start3A_42 = arith.constant 0 : i32
      %dma_start3A_43 = tpu.memref_slice %arg9[%add3A_14, %dma_start3A_42] : memref<10112x128xf32, #tpu.memory_space<vmem_shared>> -> memref<128x128xf32, #tpu.memory_space<vmem_shared>>
      tpu.enqueue_dma source(%arg8 : memref<128x128xf32, #tpu.memory_space<vmem>>) target(%dma_start3A_43 : memref<128x128xf32, #tpu.memory_space<vmem_shared>>) target_semaphore(%run_scoped3A : memref<!tpu.dma_semaphore, #tpu.memory_space<semaphore_mem>>)
      %dma_wait3A = arith.constant 0 : i32
      %dma_wait3A_44 = tpu.memref_slice %arg9[%add3A_14, %dma_wait3A] : memref<10112x128xf32, #tpu.memory_space<vmem_shared>> -> memref<128x128xf32, #tpu.memory_space<vmem_shared>>
      %dma_wait3A_45 = arith.constant 0 : i32
      %dma_wait3A_46 = tpu.memref_slice %arg9[%add3A_14, %dma_wait3A_45] : memref<10112x128xf32, #tpu.memory_space<vmem_shared>> -> memref<128x128xf32, #tpu.memory_space<vmem_shared>>
      tpu.wait_dma2 semaphore(%run_scoped3A : memref<!tpu.dma_semaphore, #tpu.memory_space<semaphore_mem>>) src(%arg8 : memref<128x128xf32, #tpu.memory_space<vmem>>) dst(%dma_wait3A_46 : memref<128x128xf32, #tpu.memory_space<vmem_shared>>)
      tpu.yield
    }) : () -> ()
    %mul3A_15 = arith.constant 632 : i32
    %mul3A_16 = arith.muli %arg1, %mul3A_15 : i32
    %add3A_17 = arith.constant 256 : i32
    %add3A_18 = arith.addi %mul3A_16, %add3A_17 : i32
    "tpu.region"() ({
      %run_scoped3A = tpu.sem_alloc : memref<!tpu.dma_semaphore, #tpu.memory_space<semaphore_mem>>
      %dma_start3A = arith.constant 0 : i32
      %dma_start3A_41 = tpu.memref_slice %arg9[%add3A_18, %dma_start3A] : memref<10112x128xf32, #tpu.memory_space<vmem_shared>> -> memref<128x128xf32, #tpu.memory_space<vmem_shared>>
      %dma_start3A_42 = arith.constant 0 : i32
      %dma_start3A_43 = tpu.memref_slice %arg9[%add3A_18, %dma_start3A_42] : memref<10112x128xf32, #tpu.memory_space<vmem_shared>> -> memref<128x128xf32, #tpu.memory_space<vmem_shared>>
      tpu.enqueue_dma source(%arg8 : memref<128x128xf32, #tpu.memory_space<vmem>>) target(%dma_start3A_43 : memref<128x128xf32, #tpu.memory_space<vmem_shared>>) target_semaphore(%run_scoped3A : memref<!tpu.dma_semaphore, #tpu.memory_space<semaphore_mem>>)
      %dma_wait3A = arith.constant 0 : i32
      %dma_wait3A_44 = tpu.memref_slice %arg9[%add3A_18, %dma_wait3A] : memref<10112x128xf32, #tpu.memory_space<vmem_shared>> -> memref<128x128xf32, #tpu.memory_space<vmem_shared>>
      %dma_wait3A_45 = arith.constant 0 : i32
      %dma_wait3A_46 = tpu.memref_slice %arg9[%add3A_18, %dma_wait3A_45] : memref<10112x128xf32, #tpu.memory_space<vmem_shared>> -> memref<128x128xf32, #tpu.memory_space<vmem_shared>>
      tpu.wait_dma2 semaphore(%run_scoped3A : memref<!tpu.dma_semaphore, #tpu.memory_space<semaphore_mem>>) src(%arg8 : memref<128x128xf32, #tpu.memory_space<vmem>>) dst(%dma_wait3A_46 : memref<128x128xf32, #tpu.memory_space<vmem_shared>>)
      tpu.yield
    }) : () -> ()
    %mul3A_19 = arith.constant 632 : i32
    %mul3A_20 = arith.muli %arg1, %mul3A_19 : i32
    %add3A_21 = arith.constant 384 : i32
    %add3A_22 = arith.addi %mul3A_20, %add3A_21 : i32
    "tpu.region"() ({
      %run_scoped3A = tpu.sem_alloc : memref<!tpu.dma_semaphore, #tpu.memory_space<semaphore_mem>>
      %dma_start3A = arith.constant 0 : i32
      %dma_start3A_41 = tpu.memref_slice %arg9[%add3A_22, %dma_start3A] : memref<10112x128xf32, #tpu.memory_space<vmem_shared>> -> memref<128x128xf32, #tpu.memory_space<vmem_shared>>
      %dma_start3A_42 = arith.constant 0 : i32
      %dma_start3A_43 = tpu.memref_slice %arg9[%add3A_22, %dma_start3A_42] : memref<10112x128xf32, #tpu.memory_space<vmem_shared>> -> memref<128x128xf32, #tpu.memory_space<vmem_shared>>
      tpu.enqueue_dma source(%arg8 : memref<128x128xf32, #tpu.memory_space<vmem>>) target(%dma_start3A_43 : memref<128x128xf32, #tpu.memory_space<vmem_shared>>) target_semaphore(%run_scoped3A : memref<!tpu.dma_semaphore, #tpu.memory_space<semaphore_mem>>)
      %dma_wait3A = arith.constant 0 : i32
      %dma_wait3A_44 = tpu.memref_slice %arg9[%add3A_22, %dma_wait3A] : memref<10112x128xf32, #tpu.memory_space<vmem_shared>> -> memref<128x128xf32, #tpu.memory_space<vmem_shared>>
      %dma_wait3A_45 = arith.constant 0 : i32
      %dma_wait3A_46 = tpu.memref_slice %arg9[%add3A_22, %dma_wait3A_45] : memref<10112x128xf32, #tpu.memory_space<vmem_shared>> -> memref<128x128xf32, #tpu.memory_space<vmem_shared>>
      tpu.wait_dma2 semaphore(%run_scoped3A : memref<!tpu.dma_semaphore, #tpu.memory_space<semaphore_mem>>) src(%arg8 : memref<128x128xf32, #tpu.memory_space<vmem>>) dst(%dma_wait3A_46 : memref<128x128xf32, #tpu.memory_space<vmem_shared>>)
      tpu.yield
    }) : () -> ()
    %mul3A_23 = arith.constant 632 : i32
    %mul3A_24 = arith.muli %arg1, %mul3A_23 : i32
    %add3A_25 = arith.constant 512 : i32
    %add3A_26 = arith.addi %mul3A_24, %add3A_25 : i32
    "tpu.region"() ({
      %run_scoped3A = tpu.sem_alloc : memref<!tpu.dma_semaphore, #tpu.memory_space<semaphore_mem>>
      %dma_start3A = arith.constant 0 : i32
      %dma_start3A_41 = arith.constant 0 : i32
      %dma_start3A_42 = tpu.memref_slice %arg8[%dma_start3A, %dma_start3A_41] : memref<128x128xf32, #tpu.memory_space<vmem>> -> memref<120x128xf32, #tpu.memory_space<vmem>>
      %dma_start3A_43 = arith.constant 0 : i32
      %dma_start3A_44 = tpu.memref_slice %arg9[%add3A_26, %dma_start3A_43] : memref<10112x128xf32, #tpu.memory_space<vmem_shared>> -> memref<120x128xf32, #tpu.memory_space<vmem_shared>>
      %dma_start3A_45 = arith.constant 0 : i32
      %dma_start3A_46 = tpu.memref_slice %arg9[%add3A_26, %dma_start3A_45] : memref<10112x128xf32, #tpu.memory_space<vmem_shared>> -> memref<120x128xf32, #tpu.memory_space<vmem_shared>>
      %dma_start3A_47 = arith.constant 0 : i32
      %dma_start3A_48 = arith.constant 0 : i32
      %dma_start3A_49 = tpu.memref_slice %arg8[%dma_start3A_47, %dma_start3A_48] : memref<128x128xf32, #tpu.memory_space<vmem>> -> memref<120x128xf32, #tpu.memory_space<vmem>>
      tpu.enqueue_dma source(%dma_start3A_49 : memref<120x128xf32, #tpu.memory_space<vmem>>) target(%dma_start3A_46 : memref<120x128xf32, #tpu.memory_space<vmem_shared>>) target_semaphore(%run_scoped3A : memref<!tpu.dma_semaphore, #tpu.memory_space<semaphore_mem>>)
      %dma_wait3A = arith.constant 0 : i32
      %dma_wait3A_50 = arith.constant 0 : i32
      %dma_wait3A_51 = tpu.memref_slice %arg8[%dma_wait3A, %dma_wait3A_50] : memref<128x128xf32, #tpu.memory_space<vmem>> -> memref<120x128xf32, #tpu.memory_space<vmem>>
      %dma_wait3A_52 = arith.constant 0 : i32
      %dma_wait3A_53 = tpu.memref_slice %arg9[%add3A_26, %dma_wait3A_52] : memref<10112x128xf32, #tpu.memory_space<vmem_shared>> -> memref<120x128xf32, #tpu.memory_space<vmem_shared>>
      %dma_wait3A_54 = arith.constant 0 : i32
      %dma_wait3A_55 = tpu.memref_slice %arg9[%add3A_26, %dma_wait3A_54] : memref<10112x128xf32, #tpu.memory_space<vmem_shared>> -> memref<120x128xf32, #tpu.memory_space<vmem_shared>>
      %dma_wait3A_56 = arith.constant 0 : i32
      %dma_wait3A_57 = arith.constant 0 : i32
      %dma_wait3A_58 = tpu.memref_slice %arg8[%dma_wait3A_56, %dma_wait3A_57] : memref<128x128xf32, #tpu.memory_space<vmem>> -> memref<120x128xf32, #tpu.memory_space<vmem>>
      tpu.wait_dma2 semaphore(%run_scoped3A : memref<!tpu.dma_semaphore, #tpu.memory_space<semaphore_mem>>) src(%dma_wait3A_58 : memref<120x128xf32, #tpu.memory_space<vmem>>) dst(%dma_wait3A_55 : memref<120x128xf32, #tpu.memory_space<vmem_shared>>)
      tpu.yield
    }) : () -> ()
    %barrier3A = arith.constant 0 : index
    tpu.barrier barrier_id(%barrier3A)
    %scan3A_27 = arith.constant 0 : i32
    %scan3A_28 = arith.constant 0 : i32
    %scan3A_29 = arith.constant 79 : i32
    %scan3A_30 = arith.addi %scan3A_28, %scan3A_29 : i32
    %scan3A_31 = arith.constant 1 : i32
    scf.for %scan3A_41 = %scan3A_28 to %scan3A_30 step %scan3A_31  : i32 {
      %dma_start3A = arith.constant 0 : i32
      %dma_start3A_42 = tpu.memref_slice %arg6[%scan3A_41, %dma_start3A] : memref<79x128xi32, #tpu.memory_space<vmem>> -> memref<1x128xi32, #tpu.memory_space<vmem>>
      %dma_start3A_43 = tpu.memref_squeeze %dma_start3A_42 : memref<1x128xi32, #tpu.memory_space<vmem>> -> memref<128xi32, #tpu.memory_space<vmem>>
      %dma_start3A_44 = arith.constant 0 : i32
      %dma_start3A_45 = arith.constant 0 : i32
      %dma_start3A_46 = tpu.memref_slice %arg2[%dma_start3A_44, %dma_start3A_45] : memref<10000x128xf32, #tpu.memory_space<hbm>> -> memref<10000x128xf32, #tpu.memory_space<hbm>>
      tpu.enqueue_indirect_dma source(%dma_start3A_46 : memref<10000x128xf32, #tpu.memory_space<hbm>>) target(%arg8 : memref<128x128xf32, #tpu.memory_space<vmem>>) offsets(%dma_start3A_43 : memref<128xi32, #tpu.memory_space<vmem>>) semaphore(%arg10 : memref<!tpu.dma_semaphore, #tpu.memory_space<semaphore_mem>>)
      %dma_wait3A = arith.constant 0 : i32
      %dma_wait3A_47 = tpu.memref_slice %arg6[%scan3A_41, %dma_wait3A] : memref<79x128xi32, #tpu.memory_space<vmem>> -> memref<1x128xi32, #tpu.memory_space<vmem>>
      %dma_wait3A_48 = tpu.memref_squeeze %dma_wait3A_47 : memref<1x128xi32, #tpu.memory_space<vmem>> -> memref<128xi32, #tpu.memory_space<vmem>>
      %dma_wait3A_49 = arith.constant 0 : i32
      %dma_wait3A_50 = arith.constant 0 : i32
      %dma_wait3A_51 = tpu.memref_slice %arg2[%dma_wait3A_49, %dma_wait3A_50] : memref<10000x128xf32, #tpu.memory_space<hbm>> -> memref<10000x128xf32, #tpu.memory_space<hbm>>
      tpu.wait_indirect_dma semaphore(%arg10 : memref<!tpu.dma_semaphore, #tpu.memory_space<semaphore_mem>>) src(%dma_wait3A_51 : memref<10000x128xf32, #tpu.memory_space<hbm>>) dst(%arg8 : memref<128x128xf32, #tpu.memory_space<vmem>>)
      "tpu.region"() ({
        %run_scoped3A = tpu.sem_alloc : memref<!tpu.dma_semaphore, #tpu.memory_space<semaphore_mem>>
        %dma_start3A_52 = arith.constant 0 : i32
        %dma_start3A_53 = tpu.memref_slice %arg7[%scan3A_41, %dma_start3A_52] : memref<79x128xi32, #tpu.memory_space<vmem>> -> memref<1x128xi32, #tpu.memory_space<vmem>>
        %dma_start3A_54 = tpu.memref_squeeze %dma_start3A_53 : memref<1x128xi32, #tpu.memory_space<vmem>> -> memref<128xi32, #tpu.memory_space<vmem>>
        %dma_start3A_55 = arith.constant 0 : i32
        %dma_start3A_56 = arith.constant 0 : i32
        %dma_start3A_57 = tpu.memref_slice %arg9[%dma_start3A_55, %dma_start3A_56] : memref<10112x128xf32, #tpu.memory_space<vmem_shared>> -> memref<10112x128xf32, #tpu.memory_space<vmem_shared>>
        tpu.enqueue_indirect_dma source(%arg8 : memref<128x128xf32, #tpu.memory_space<vmem>>) target(%dma_start3A_57 : memref<10112x128xf32, #tpu.memory_space<vmem_shared>>) offsets(%dma_start3A_54 : memref<128xi32, #tpu.memory_space<vmem>>) semaphore(%run_scoped3A : memref<!tpu.dma_semaphore, #tpu.memory_space<semaphore_mem>>) {add = true}
        %dma_wait3A_58 = arith.constant 0 : i32
        %dma_wait3A_59 = tpu.memref_slice %arg7[%scan3A_41, %dma_wait3A_58] : memref<79x128xi32, #tpu.memory_space<vmem>> -> memref<1x128xi32, #tpu.memory_space<vmem>>
        %dma_wait3A_60 = tpu.memref_squeeze %dma_wait3A_59 : memref<1x128xi32, #tpu.memory_space<vmem>> -> memref<128xi32, #tpu.memory_space<vmem>>
        %dma_wait3A_61 = arith.constant 0 : i32
        %dma_wait3A_62 = arith.constant 0 : i32
        %dma_wait3A_63 = tpu.memref_slice %arg9[%dma_wait3A_61, %dma_wait3A_62] : memref<10112x128xf32, #tpu.memory_space<vmem_shared>> -> memref<10112x128xf32, #tpu.memory_space<vmem_shared>>
        tpu.wait_indirect_dma semaphore(%run_scoped3A : memref<!tpu.dma_semaphore, #tpu.memory_space<semaphore_mem>>) src(%arg8 : memref<128x128xf32, #tpu.memory_space<vmem>>) dst(%dma_wait3A_63 : memref<10112x128xf32, #tpu.memory_space<vmem_shared>>)
        tpu.yield
      }) : () -> ()
    }
    %scan3A_32 = arith.constant 79 : i32
    %barrier3A_33 = arith.constant 0 : index
    tpu.barrier barrier_id(%barrier3A_33)
    %mul3A_34 = arith.constant 632 : i32
    %mul3A_35 = arith.muli %arg1, %mul3A_34 : i32
    %mul3A_36 = arith.constant 10112 : i32
    %mul3A_37 = arith.muli %arg0, %mul3A_36 : i32
    %mul3A_38 = arith.constant 632 : i32
    %mul3A_39 = arith.muli %arg1, %mul3A_38 : i32
    %add3A_40 = arith.addi %mul3A_37, %mul3A_39 : i32
    "tpu.region"() ({
      %run_scoped3A = tpu.sem_alloc : memref<!tpu.dma_semaphore, #tpu.memory_space<semaphore_mem>>
      %dma_start3A = arith.constant 0 : i32
      %dma_start3A_41 = tpu.memref_slice %arg5[%add3A_40, %dma_start3A] : memref<20224x128xf32, #tpu.memory_space<hbm>> -> memref<632x128xf32, #tpu.memory_space<hbm>>
      %dma_start3A_42 = arith.constant 0 : i32
      %dma_start3A_43 = tpu.memref_slice %arg9[%mul3A_35, %dma_start3A_42] : memref<10112x128xf32, #tpu.memory_space<vmem_shared>> -> memref<632x128xf32, #tpu.memory_space<vmem_shared>>
      tpu.enqueue_dma source(%dma_start3A_43 : memref<632x128xf32, #tpu.memory_space<vmem_shared>>) target(%dma_start3A_41 : memref<632x128xf32, #tpu.memory_space<hbm>>) target_semaphore(%run_scoped3A : memref<!tpu.dma_semaphore, #tpu.memory_space<semaphore_mem>>)
      %dma_wait3A = arith.constant 0 : i32
      %dma_wait3A_44 = tpu.memref_slice %arg5[%add3A_40, %dma_wait3A] : memref<20224x128xf32, #tpu.memory_space<hbm>> -> memref<632x128xf32, #tpu.memory_space<hbm>>
      %dma_wait3A_45 = arith.constant 0 : i32
      %dma_wait3A_46 = tpu.memref_slice %arg9[%mul3A_35, %dma_wait3A_45] : memref<10112x128xf32, #tpu.memory_space<vmem_shared>> -> memref<632x128xf32, #tpu.memory_space<vmem_shared>>
      tpu.wait_dma2 semaphore(%run_scoped3A : memref<!tpu.dma_semaphore, #tpu.memory_space<semaphore_mem>>) src(%dma_wait3A_46 : memref<632x128xf32, #tpu.memory_space<vmem_shared>>) dst(%dma_wait3A_44 : memref<632x128xf32, #tpu.memory_space<hbm>>)
      tpu.yield
    }) : () -> ()
    return
  }
}

#map = affine_map<(d0, d1) -> (0, 0)>
#map1 = affine_map<(d0, d1) -> (0, 0, 0)>
module attributes {stable_mosaic.version = 14 : i64} {
  func.func @agg(%arg0: i32, %arg1: i32, %arg2: memref<10000x128xf32, #tpu.memory_space<hbm>>, %arg3: memref<32x79x128xi32, #tpu.memory_space<hbm>>, %arg4: memref<32x79x128xi32, #tpu.memory_space<hbm>>, %arg5: memref<20224x128xf32, #tpu.memory_space<hbm>>, %arg6: memref<79x128xi32, #tpu.memory_space<vmem>>, %arg7: memref<79x128xi32, #tpu.memory_space<vmem>>, %arg8: memref<128x128xf32, #tpu.memory_space<vmem>>, %arg9: memref<10112x128xf32, #tpu.memory_space<vmem_shared>>, %arg10: memref<!tpu.dma_semaphore, #tpu.memory_space<semaphore_mem>>) attributes {dimension_semantics = [#tpu.dimension_semantics<core_parallel>, #tpu.dimension_semantics<subcore_parallel>], iteration_bounds = array<i64: 2, 16>, scalar_prefetch = 0 : i64, scratch_operands = 5 : i64, tpu.core_type = #tpu.core_type<sc_vector_subcore>, window_params = [{transform_indices = #map}, {transform_indices = #map1}, {transform_indices = #map1}, {transform_indices = #map}]} {
    %mul3A = arith.constant 2 : i32
    %mul3A_0 = arith.muli %arg1, %mul3A : i32
    %add3A = arith.addi %mul3A_0, %arg0 : i32
    "tpu.region"() ({
      %run_scoped3A = tpu.sem_alloc : memref<!tpu.dma_semaphore, #tpu.memory_space<semaphore_mem>>
      %dma_start3A = arith.constant 0 : i32
      %dma_start3A_41 = arith.constant 0 : i32
      %dma_start3A_42 = tpu.memref_slice %arg3[%add3A, %dma_start3A, %dma_start3A_41] : memref<32x79x128xi32, #tpu.memory_space<hbm>> -> memref<1x79x128xi32, #tpu.memory_space<hbm>>
      %dma_start3A_43 = tpu.memref_squeeze %dma_start3A_42 : memref<1x79x128xi32, #tpu.memory_space<hbm>> -> memref<79x128xi32, #tpu.memory_space<hbm>>
      %dma_start3A_44 = arith.constant 0 : i32
      %dma_start3A_45 = arith.constant 0 : i32
      %dma_start3A_46 = tpu.memref_slice %arg3[%add3A, %dma_start3A_44, %dma_start3A_45] : memref<32x79x128xi32, #tpu.memory_space<hbm>> -> memref<1x79x128xi32, #tpu.memory_space<hbm>>
      %dma_start3A_47 = tpu.memref_squeeze %dma_start3A_46 : memref<1x79x128xi32, #tpu.memory_space<hbm>> -> memref<79x128xi32, #tpu.memory_space<hbm>>
      tpu.enqueue_dma source(%dma_start3A_47 : memref<79x128xi32, #tpu.memory_space<hbm>>) target(%arg6 : memref<79x128xi32, #tpu.memory_space<vmem>>) target_semaphore(%run_scoped3A : memref<!tpu.dma_semaphore, #tpu.memory_space<semaphore_mem>>)
      %dma_wait3A = arith.constant 0 : i32
      %dma_wait3A_48 = arith.constant 0 : i32
      %dma_wait3A_49 = tpu.memref_slice %arg3[%add3A, %dma_wait3A, %dma_wait3A_48] : memref<32x79x128xi32, #tpu.memory_space<hbm>> -> memref<1x79x128xi32, #tpu.memory_space<hbm>>
      %dma_wait3A_50 = tpu.memref_squeeze %dma_wait3A_49 : memref<1x79x128xi32, #tpu.memory_space<hbm>> -> memref<79x128xi32, #tpu.memory_space<hbm>>
      %dma_wait3A_51 = arith.constant 0 : i32
      %dma_wait3A_52 = arith.constant 0 : i32
      %dma_wait3A_53 = tpu.memref_slice %arg3[%add3A, %dma_wait3A_51, %dma_wait3A_52] : memref<32x79x128xi32, #tpu.memory_space<hbm>> -> memref<1x79x128xi32, #tpu.memory_space<hbm>>
      %dma_wait3A_54 = tpu.memref_squeeze %dma_wait3A_53 : memref<1x79x128xi32, #tpu.memory_space<hbm>> -> memref<79x128xi32, #tpu.memory_space<hbm>>
      tpu.wait_dma2 semaphore(%run_scoped3A : memref<!tpu.dma_semaphore, #tpu.memory_space<semaphore_mem>>) src(%dma_wait3A_54 : memref<79x128xi32, #tpu.memory_space<hbm>>) dst(%arg6 : memref<79x128xi32, #tpu.memory_space<vmem>>)
      tpu.yield
    }) : () -> ()
    "tpu.region"() ({
      %run_scoped3A = tpu.sem_alloc : memref<!tpu.dma_semaphore, #tpu.memory_space<semaphore_mem>>
      %dma_start3A = arith.constant 0 : i32
      %dma_start3A_41 = arith.constant 0 : i32
      %dma_start3A_42 = tpu.memref_slice %arg4[%add3A, %dma_start3A, %dma_start3A_41] : memref<32x79x128xi32, #tpu.memory_space<hbm>> -> memref<1x79x128xi32, #tpu.memory_space<hbm>>
      %dma_start3A_43 = tpu.memref_squeeze %dma_start3A_42 : memref<1x79x128xi32, #tpu.memory_space<hbm>> -> memref<79x128xi32, #tpu.memory_space<hbm>>
      %dma_start3A_44 = arith.constant 0 : i32
      %dma_start3A_45 = arith.constant 0 : i32
      %dma_start3A_46 = tpu.memref_slice %arg4[%add3A, %dma_start3A_44, %dma_start3A_45] : memref<32x79x128xi32, #tpu.memory_space<hbm>> -> memref<1x79x128xi32, #tpu.memory_space<hbm>>
      %dma_start3A_47 = tpu.memref_squeeze %dma_start3A_46 : memref<1x79x128xi32, #tpu.memory_space<hbm>> -> memref<79x128xi32, #tpu.memory_space<hbm>>
      tpu.enqueue_dma source(%dma_start3A_47 : memref<79x128xi32, #tpu.memory_space<hbm>>) target(%arg7 : memref<79x128xi32, #tpu.memory_space<vmem>>) target_semaphore(%run_scoped3A : memref<!tpu.dma_semaphore, #tpu.memory_space<semaphore_mem>>)
      %dma_wait3A = arith.constant 0 : i32
      %dma_wait3A_48 = arith.constant 0 : i32
      %dma_wait3A_49 = tpu.memref_slice %arg4[%add3A, %dma_wait3A, %dma_wait3A_48] : memref<32x79x128xi32, #tpu.memory_space<hbm>> -> memref<1x79x128xi32, #tpu.memory_space<hbm>>
      %dma_wait3A_50 = tpu.memref_squeeze %dma_wait3A_49 : memref<1x79x128xi32, #tpu.memory_space<hbm>> -> memref<79x128xi32, #tpu.memory_space<hbm>>
      %dma_wait3A_51 = arith.constant 0 : i32
      %dma_wait3A_52 = arith.constant 0 : i32
      %dma_wait3A_53 = tpu.memref_slice %arg4[%add3A, %dma_wait3A_51, %dma_wait3A_52] : memref<32x79x128xi32, #tpu.memory_space<hbm>> -> memref<1x79x128xi32, #tpu.memory_space<hbm>>
      %dma_wait3A_54 = tpu.memref_squeeze %dma_wait3A_53 : memref<1x79x128xi32, #tpu.memory_space<hbm>> -> memref<79x128xi32, #tpu.memory_space<hbm>>
      tpu.wait_dma2 semaphore(%run_scoped3A : memref<!tpu.dma_semaphore, #tpu.memory_space<semaphore_mem>>) src(%dma_wait3A_54 : memref<79x128xi32, #tpu.memory_space<hbm>>) dst(%arg7 : memref<79x128xi32, #tpu.memory_space<vmem>>)
      tpu.yield
    }) : () -> ()
    %broadcast_in_dim3A = arith.constant 0.000000e+00 : f32
    %broadcast_in_dim3A_1 = vector.broadcast %broadcast_in_dim3A : f32 to vector<16xf32>
    %scan3A = arith.constant 0 : i32
    %scan3A_2 = arith.constant 0 : i32
    %scan3A_3 = arith.constant 1024 : i32
    %scan3A_4 = arith.addi %scan3A_2, %scan3A_3 : i32
    %scan3A_5 = arith.constant 1 : i32
    scf.for %scan3A_41 = %scan3A_2 to %scan3A_4 step %scan3A_5  : i32 {
      %jit3A = arith.constant 8 : i32
      %div3A = arith.divsi %scan3A_41, %jit3A : i32
      %sign3A = arith.constant 0 : i32
      %sign3A_42 = arith.cmpi sgt, %scan3A_41, %sign3A : i32
      %sign3A_43 = arith.extui %sign3A_42 : i1 to i32
      %sign3A_44 = arith.constant 0 : i32
      %sign3A_45 = arith.cmpi slt, %scan3A_41, %sign3A_44 : i32
      %sign3A_46 = arith.extui %sign3A_45 : i1 to i32
      %sign3A_47 = arith.subi %sign3A_43, %sign3A_46 : i32
      %sign3A_48 = arith.constant 0 : i32
      %sign3A_49 = arith.cmpi sgt, %jit3A, %sign3A_48 : i32
      %sign3A_50 = arith.extui %sign3A_49 : i1 to i32
      %sign3A_51 = arith.constant 0 : i32
      %sign3A_52 = arith.cmpi slt, %jit3A, %sign3A_51 : i32
      %sign3A_53 = arith.extui %sign3A_52 : i1 to i32
      %sign3A_54 = arith.subi %sign3A_50, %sign3A_53 : i32
      %ne3A = arith.cmpi ne, %sign3A_47, %sign3A_54 : i32
      %rem3A = arith.remsi %scan3A_41, %jit3A : i32
      %ne3A_55 = arith.constant 0 : i32
      %ne3A_56 = arith.cmpi ne, %rem3A, %ne3A_55 : i32
      %and3A = arith.andi %ne3A, %ne3A_56 : i1
      %sub3A = arith.constant 1 : i32
      %sub3A_57 = arith.subi %div3A, %sub3A : i32
      %select_n3A = arith.select %and3A, %sub3A_57, %div3A : i32
      %jit3A_58 = arith.constant 8 : i32
      %eq3A = arith.constant 0 : i32
      %eq3A_59 = arith.cmpi eq, %jit3A_58, %eq3A : i32
      %jit3A_60 = arith.constant 1 : i32
      %select_n3A_61 = arith.select %eq3A_59, %jit3A_60, %jit3A_58 : i32
      %rem3A_62 = arith.remsi %scan3A_41, %select_n3A_61 : i32
      %ne3A_63 = arith.constant 0 : i32
      %ne3A_64 = arith.cmpi ne, %rem3A_62, %ne3A_63 : i32
      %lt3A = arith.constant 0 : i32
      %lt3A_65 = arith.cmpi slt, %rem3A_62, %lt3A : i32
      %lt3A_66 = arith.constant 0 : i32
      %lt3A_67 = arith.cmpi slt, %select_n3A_61, %lt3A_66 : i32
      %ne3A_68 = arith.xori %lt3A_65, %lt3A_67 : i1
      %and3A_69 = arith.andi %ne3A_68, %ne3A_64 : i1
      %add3A_70 = arith.addi %rem3A_62, %select_n3A_61 : i32
      %select_n3A_71 = arith.select %and3A_69, %add3A_70, %rem3A_62 : i32
      %mul3A_72 = arith.constant 16 : i32
      %mul3A_73 = arith.muli %select_n3A_71, %mul3A_72 : i32
      %swap3A = arith.index_cast %select_n3A : i32 to index
      %swap3A_74 = arith.index_cast %mul3A_73 : i32 to index
      %swap3A_75 = tpu.vector_load %arg8[%swap3A, %swap3A_74] {strides = array<i32>} : memref<128x128xf32, #tpu.memory_space<vmem>>, vector<1x16xf32>,
      %swap3A_76 = vector.shape_cast %swap3A_75 : vector<1x16xf32> to vector<16xf32>
      %swap3A_77 = vector.shape_cast %broadcast_in_dim3A_1 : vector<16xf32> to vector<1x16xf32>
      tpu.vector_store %arg8[%swap3A, %swap3A_74], %swap3A_77 {strides = array<i32>} : memref<128x128xf32, #tpu.memory_space<vmem>>, vector<1x16xf32>,
    }
    %scan3A_6 = arith.constant 1024 : i32
    %mul3A_7 = arith.constant 632 : i32
    %mul3A_8 = arith.muli %arg1, %mul3A_7 : i32
    %add3A_9 = arith.constant 0 : i32
    %add3A_10 = arith.addi %mul3A_8, %add3A_9 : i32
    "tpu.region"() ({
      %run_scoped3A = tpu.sem_alloc : memref<!tpu.dma_semaphore, #tpu.memory_space<semaphore_mem>>
      %dma_start3A = arith.constant 0 : i32
      %dma_start3A_41 = tpu.memref_slice %arg9[%add3A_10, %dma_start3A] : memref<10112x128xf32, #tpu.memory_space<vmem_shared>> -> memref<128x128xf32, #tpu.memory_space<vmem_shared>>
      %dma_start3A_42 = arith.constant 0 : i32
      %dma_start3A_43 = tpu.memref_slice %arg9[%add3A_10, %dma_start3A_42] : memref<10112x128xf32, #tpu.memory_space<vmem_shared>> -> memref<128x128xf32, #tpu.memory_space<vmem_shared>>
      tpu.enqueue_dma source(%arg8 : memref<128x128xf32, #tpu.memory_space<vmem>>) target(%dma_start3A_43 : memref<128x128xf32, #tpu.memory_space<vmem_shared>>) target_semaphore(%run_scoped3A : memref<!tpu.dma_semaphore, #tpu.memory_space<semaphore_mem>>)
      %dma_wait3A = arith.constant 0 : i32
      %dma_wait3A_44 = tpu.memref_slice %arg9[%add3A_10, %dma_wait3A] : memref<10112x128xf32, #tpu.memory_space<vmem_shared>> -> memref<128x128xf32, #tpu.memory_space<vmem_shared>>
      %dma_wait3A_45 = arith.constant 0 : i32
      %dma_wait3A_46 = tpu.memref_slice %arg9[%add3A_10, %dma_wait3A_45] : memref<10112x128xf32, #tpu.memory_space<vmem_shared>> -> memref<128x128xf32, #tpu.memory_space<vmem_shared>>
      tpu.wait_dma2 semaphore(%run_scoped3A : memref<!tpu.dma_semaphore, #tpu.memory_space<semaphore_mem>>) src(%arg8 : memref<128x128xf32, #tpu.memory_space<vmem>>) dst(%dma_wait3A_46 : memref<128x128xf32, #tpu.memory_space<vmem_shared>>)
      tpu.yield
    }) : () -> ()
    %mul3A_11 = arith.constant 632 : i32
    %mul3A_12 = arith.muli %arg1, %mul3A_11 : i32
    %add3A_13 = arith.constant 128 : i32
    %add3A_14 = arith.addi %mul3A_12, %add3A_13 : i32
    "tpu.region"() ({
      %run_scoped3A = tpu.sem_alloc : memref<!tpu.dma_semaphore, #tpu.memory_space<semaphore_mem>>
      %dma_start3A = arith.constant 0 : i32
      %dma_start3A_41 = tpu.memref_slice %arg9[%add3A_14, %dma_start3A] : memref<10112x128xf32, #tpu.memory_space<vmem_shared>> -> memref<128x128xf32, #tpu.memory_space<vmem_shared>>
      %dma_start3A_42 = arith.constant 0 : i32
      %dma_start3A_43 = tpu.memref_slice %arg9[%add3A_14, %dma_start3A_42] : memref<10112x128xf32, #tpu.memory_space<vmem_shared>> -> memref<128x128xf32, #tpu.memory_space<vmem_shared>>
      tpu.enqueue_dma source(%arg8 : memref<128x128xf32, #tpu.memory_space<vmem>>) target(%dma_start3A_43 : memref<128x128xf32, #tpu.memory_space<vmem_shared>>) target_semaphore(%run_scoped3A : memref<!tpu.dma_semaphore, #tpu.memory_space<semaphore_mem>>)
      %dma_wait3A = arith.constant 0 : i32
      %dma_wait3A_44 = tpu.memref_slice %arg9[%add3A_14, %dma_wait3A] : memref<10112x128xf32, #tpu.memory_space<vmem_shared>> -> memref<128x128xf32, #tpu.memory_space<vmem_shared>>
      %dma_wait3A_45 = arith.constant 0 : i32
      %dma_wait3A_46 = tpu.memref_slice %arg9[%add3A_14, %dma_wait3A_45] : memref<10112x128xf32, #tpu.memory_space<vmem_shared>> -> memref<128x128xf32, #tpu.memory_space<vmem_shared>>
      tpu.wait_dma2 semaphore(%run_scoped3A : memref<!tpu.dma_semaphore, #tpu.memory_space<semaphore_mem>>) src(%arg8 : memref<128x128xf32, #tpu.memory_space<vmem>>) dst(%dma_wait3A_46 : memref<128x128xf32, #tpu.memory_space<vmem_shared>>)
      tpu.yield
    }) : () -> ()
    %mul3A_15 = arith.constant 632 : i32
    %mul3A_16 = arith.muli %arg1, %mul3A_15 : i32
    %add3A_17 = arith.constant 256 : i32
    %add3A_18 = arith.addi %mul3A_16, %add3A_17 : i32
    "tpu.region"() ({
      %run_scoped3A = tpu.sem_alloc : memref<!tpu.dma_semaphore, #tpu.memory_space<semaphore_mem>>
      %dma_start3A = arith.constant 0 : i32
      %dma_start3A_41 = tpu.memref_slice %arg9[%add3A_18, %dma_start3A] : memref<10112x128xf32, #tpu.memory_space<vmem_shared>> -> memref<128x128xf32, #tpu.memory_space<vmem_shared>>
      %dma_start3A_42 = arith.constant 0 : i32
      %dma_start3A_43 = tpu.memref_slice %arg9[%add3A_18, %dma_start3A_42] : memref<10112x128xf32, #tpu.memory_space<vmem_shared>> -> memref<128x128xf32, #tpu.memory_space<vmem_shared>>
      tpu.enqueue_dma source(%arg8 : memref<128x128xf32, #tpu.memory_space<vmem>>) target(%dma_start3A_43 : memref<128x128xf32, #tpu.memory_space<vmem_shared>>) target_semaphore(%run_scoped3A : memref<!tpu.dma_semaphore, #tpu.memory_space<semaphore_mem>>)
      %dma_wait3A = arith.constant 0 : i32
      %dma_wait3A_44 = tpu.memref_slice %arg9[%add3A_18, %dma_wait3A] : memref<10112x128xf32, #tpu.memory_space<vmem_shared>> -> memref<128x128xf32, #tpu.memory_space<vmem_shared>>
      %dma_wait3A_45 = arith.constant 0 : i32
      %dma_wait3A_46 = tpu.memref_slice %arg9[%add3A_18, %dma_wait3A_45] : memref<10112x128xf32, #tpu.memory_space<vmem_shared>> -> memref<128x128xf32, #tpu.memory_space<vmem_shared>>
      tpu.wait_dma2 semaphore(%run_scoped3A : memref<!tpu.dma_semaphore, #tpu.memory_space<semaphore_mem>>) src(%arg8 : memref<128x128xf32, #tpu.memory_space<vmem>>) dst(%dma_wait3A_46 : memref<128x128xf32, #tpu.memory_space<vmem_shared>>)
      tpu.yield
    }) : () -> ()
    %mul3A_19 = arith.constant 632 : i32
    %mul3A_20 = arith.muli %arg1, %mul3A_19 : i32
    %add3A_21 = arith.constant 384 : i32
    %add3A_22 = arith.addi %mul3A_20, %add3A_21 : i32
    "tpu.region"() ({
      %run_scoped3A = tpu.sem_alloc : memref<!tpu.dma_semaphore, #tpu.memory_space<semaphore_mem>>
      %dma_start3A = arith.constant 0 : i32
      %dma_start3A_41 = tpu.memref_slice %arg9[%add3A_22, %dma_start3A] : memref<10112x128xf32, #tpu.memory_space<vmem_shared>> -> memref<128x128xf32, #tpu.memory_space<vmem_shared>>
      %dma_start3A_42 = arith.constant 0 : i32
      %dma_start3A_43 = tpu.memref_slice %arg9[%add3A_22, %dma_start3A_42] : memref<10112x128xf32, #tpu.memory_space<vmem_shared>> -> memref<128x128xf32, #tpu.memory_space<vmem_shared>>
      tpu.enqueue_dma source(%arg8 : memref<128x128xf32, #tpu.memory_space<vmem>>) target(%dma_start3A_43 : memref<128x128xf32, #tpu.memory_space<vmem_shared>>) target_semaphore(%run_scoped3A : memref<!tpu.dma_semaphore, #tpu.memory_space<semaphore_mem>>)
      %dma_wait3A = arith.constant 0 : i32
      %dma_wait3A_44 = tpu.memref_slice %arg9[%add3A_22, %dma_wait3A] : memref<10112x128xf32, #tpu.memory_space<vmem_shared>> -> memref<128x128xf32, #tpu.memory_space<vmem_shared>>
      %dma_wait3A_45 = arith.constant 0 : i32
      %dma_wait3A_46 = tpu.memref_slice %arg9[%add3A_22, %dma_wait3A_45] : memref<10112x128xf32, #tpu.memory_space<vmem_shared>> -> memref<128x128xf32, #tpu.memory_space<vmem_shared>>
      tpu.wait_dma2 semaphore(%run_scoped3A : memref<!tpu.dma_semaphore, #tpu.memory_space<semaphore_mem>>) src(%arg8 : memref<128x128xf32, #tpu.memory_space<vmem>>) dst(%dma_wait3A_46 : memref<128x128xf32, #tpu.memory_space<vmem_shared>>)
      tpu.yield
    }) : () -> ()
    %mul3A_23 = arith.constant 632 : i32
    %mul3A_24 = arith.muli %arg1, %mul3A_23 : i32
    %add3A_25 = arith.constant 512 : i32
    %add3A_26 = arith.addi %mul3A_24, %add3A_25 : i32
    "tpu.region"() ({
      %run_scoped3A = tpu.sem_alloc : memref<!tpu.dma_semaphore, #tpu.memory_space<semaphore_mem>>
      %dma_start3A = arith.constant 0 : i32
      %dma_start3A_41 = arith.constant 0 : i32
      %dma_start3A_42 = tpu.memref_slice %arg8[%dma_start3A, %dma_start3A_41] : memref<128x128xf32, #tpu.memory_space<vmem>> -> memref<120x128xf32, #tpu.memory_space<vmem>>
      %dma_start3A_43 = arith.constant 0 : i32
      %dma_start3A_44 = tpu.memref_slice %arg9[%add3A_26, %dma_start3A_43] : memref<10112x128xf32, #tpu.memory_space<vmem_shared>> -> memref<120x128xf32, #tpu.memory_space<vmem_shared>>
      %dma_start3A_45 = arith.constant 0 : i32
      %dma_start3A_46 = tpu.memref_slice %arg9[%add3A_26, %dma_start3A_45] : memref<10112x128xf32, #tpu.memory_space<vmem_shared>> -> memref<120x128xf32, #tpu.memory_space<vmem_shared>>
      %dma_start3A_47 = arith.constant 0 : i32
      %dma_start3A_48 = arith.constant 0 : i32
      %dma_start3A_49 = tpu.memref_slice %arg8[%dma_start3A_47, %dma_start3A_48] : memref<128x128xf32, #tpu.memory_space<vmem>> -> memref<120x128xf32, #tpu.memory_space<vmem>>
      tpu.enqueue_dma source(%dma_start3A_49 : memref<120x128xf32, #tpu.memory_space<vmem>>) target(%dma_start3A_46 : memref<120x128xf32, #tpu.memory_space<vmem_shared>>) target_semaphore(%run_scoped3A : memref<!tpu.dma_semaphore, #tpu.memory_space<semaphore_mem>>)
      %dma_wait3A = arith.constant 0 : i32
      %dma_wait3A_50 = arith.constant 0 : i32
      %dma_wait3A_51 = tpu.memref_slice %arg8[%dma_wait3A, %dma_wait3A_50] : memref<128x128xf32, #tpu.memory_space<vmem>> -> memref<120x128xf32, #tpu.memory_space<vmem>>
      %dma_wait3A_52 = arith.constant 0 : i32
      %dma_wait3A_53 = tpu.memref_slice %arg9[%add3A_26, %dma_wait3A_52] : memref<10112x128xf32, #tpu.memory_space<vmem_shared>> -> memref<120x128xf32, #tpu.memory_space<vmem_shared>>
      %dma_wait3A_54 = arith.constant 0 : i32
      %dma_wait3A_55 = tpu.memref_slice %arg9[%add3A_26, %dma_wait3A_54] : memref<10112x128xf32, #tpu.memory_space<vmem_shared>> -> memref<120x128xf32, #tpu.memory_space<vmem_shared>>
      %dma_wait3A_56 = arith.constant 0 : i32
      %dma_wait3A_57 = arith.constant 0 : i32
      %dma_wait3A_58 = tpu.memref_slice %arg8[%dma_wait3A_56, %dma_wait3A_57] : memref<128x128xf32, #tpu.memory_space<vmem>> -> memref<120x128xf32, #tpu.memory_space<vmem>>
      tpu.wait_dma2 semaphore(%run_scoped3A : memref<!tpu.dma_semaphore, #tpu.memory_space<semaphore_mem>>) src(%dma_wait3A_58 : memref<120x128xf32, #tpu.memory_space<vmem>>) dst(%dma_wait3A_55 : memref<120x128xf32, #tpu.memory_space<vmem_shared>>)
      tpu.yield
    }) : () -> ()
    %barrier3A = arith.constant 0 : index
    tpu.barrier barrier_id(%barrier3A)
    %scan3A_27 = arith.constant 0 : i32
    %scan3A_28 = arith.constant 0 : i32
    %scan3A_29 = arith.constant 79 : i32
    %scan3A_30 = arith.addi %scan3A_28, %scan3A_29 : i32
    %scan3A_31 = arith.constant 1 : i32
    scf.for %scan3A_41 = %scan3A_28 to %scan3A_30 step %scan3A_31  : i32 {
      %dma_start3A = arith.constant 0 : i32
      %dma_start3A_42 = tpu.memref_slice %arg6[%scan3A_41, %dma_start3A] : memref<79x128xi32, #tpu.memory_space<vmem>> -> memref<1x128xi32, #tpu.memory_space<vmem>>
      %dma_start3A_43 = tpu.memref_squeeze %dma_start3A_42 : memref<1x128xi32, #tpu.memory_space<vmem>> -> memref<128xi32, #tpu.memory_space<vmem>>
      %dma_start3A_44 = arith.constant 0 : i32
      %dma_start3A_45 = arith.constant 0 : i32
      %dma_start3A_46 = tpu.memref_slice %arg2[%dma_start3A_44, %dma_start3A_45] : memref<10000x128xf32, #tpu.memory_space<hbm>> -> memref<10000x128xf32, #tpu.memory_space<hbm>>
      tpu.enqueue_indirect_dma source(%dma_start3A_46 : memref<10000x128xf32, #tpu.memory_space<hbm>>) target(%arg8 : memref<128x128xf32, #tpu.memory_space<vmem>>) offsets(%dma_start3A_43 : memref<128xi32, #tpu.memory_space<vmem>>) semaphore(%arg10 : memref<!tpu.dma_semaphore, #tpu.memory_space<semaphore_mem>>)
      %dma_wait3A = arith.constant 0 : i32
      %dma_wait3A_47 = tpu.memref_slice %arg6[%scan3A_41, %dma_wait3A] : memref<79x128xi32, #tpu.memory_space<vmem>> -> memref<1x128xi32, #tpu.memory_space<vmem>>
      %dma_wait3A_48 = tpu.memref_squeeze %dma_wait3A_47 : memref<1x128xi32, #tpu.memory_space<vmem>> -> memref<128xi32, #tpu.memory_space<vmem>>
      %dma_wait3A_49 = arith.constant 0 : i32
      %dma_wait3A_50 = arith.constant 0 : i32
      %dma_wait3A_51 = tpu.memref_slice %arg2[%dma_wait3A_49, %dma_wait3A_50] : memref<10000x128xf32, #tpu.memory_space<hbm>> -> memref<10000x128xf32, #tpu.memory_space<hbm>>
      tpu.wait_indirect_dma semaphore(%arg10 : memref<!tpu.dma_semaphore, #tpu.memory_space<semaphore_mem>>) src(%dma_wait3A_51 : memref<10000x128xf32, #tpu.memory_space<hbm>>) dst(%arg8 : memref<128x128xf32, #tpu.memory_space<vmem>>)
      "tpu.region"() ({
        %run_scoped3A = tpu.sem_alloc : memref<!tpu.dma_semaphore, #tpu.memory_space<semaphore_mem>>
        %dma_start3A_52 = arith.constant 0 : i32
        %dma_start3A_53 = tpu.memref_slice %arg7[%scan3A_41, %dma_start3A_52] : memref<79x128xi32, #tpu.memory_space<vmem>> -> memref<1x128xi32, #tpu.memory_space<vmem>>
        %dma_start3A_54 = tpu.memref_squeeze %dma_start3A_53 : memref<1x128xi32, #tpu.memory_space<vmem>> -> memref<128xi32, #tpu.memory_space<vmem>>
        %dma_start3A_55 = arith.constant 0 : i32
        %dma_start3A_56 = arith.constant 0 : i32
        %dma_start3A_57 = tpu.memref_slice %arg9[%dma_start3A_55, %dma_start3A_56] : memref<10112x128xf32, #tpu.memory_space<vmem_shared>> -> memref<10112x128xf32, #tpu.memory_space<vmem_shared>>
        tpu.enqueue_indirect_dma source(%arg8 : memref<128x128xf32, #tpu.memory_space<vmem>>) target(%dma_start3A_57 : memref<10112x128xf32, #tpu.memory_space<vmem_shared>>) offsets(%dma_start3A_54 : memref<128xi32, #tpu.memory_space<vmem>>) semaphore(%run_scoped3A : memref<!tpu.dma_semaphore, #tpu.memory_space<semaphore_mem>>) {add = true}
        %dma_wait3A_58 = arith.constant 0 : i32
        %dma_wait3A_59 = tpu.memref_slice %arg7[%scan3A_41, %dma_wait3A_58] : memref<79x128xi32, #tpu.memory_space<vmem>> -> memref<1x128xi32, #tpu.memory_space<vmem>>
        %dma_wait3A_60 = tpu.memref_squeeze %dma_wait3A_59 : memref<1x128xi32, #tpu.memory_space<vmem>> -> memref<128xi32, #tpu.memory_space<vmem>>
        %dma_wait3A_61 = arith.constant 0 : i32
        %dma_wait3A_62 = arith.constant 0 : i32
        %dma_wait3A_63 = tpu.memref_slice %arg9[%dma_wait3A_61, %dma_wait3A_62] : memref<10112x128xf32, #tpu.memory_space<vmem_shared>> -> memref<10112x128xf32, #tpu.memory_space<vmem_shared>>
        tpu.wait_indirect_dma semaphore(%run_scoped3A : memref<!tpu.dma_semaphore, #tpu.memory_space<semaphore_mem>>) src(%arg8 : memref<128x128xf32, #tpu.memory_space<vmem>>) dst(%dma_wait3A_63 : memref<10112x128xf32, #tpu.memory_space<vmem_shared>>)
        tpu.yield
      }) : () -> ()
    }
    %scan3A_32 = arith.constant 79 : i32
    %barrier3A_33 = arith.constant 0 : index
    tpu.barrier barrier_id(%barrier3A_33)
    %mul3A_34 = arith.constant 632 : i32
    %mul3A_35 = arith.muli %arg1, %mul3A_34 : i32
    %mul3A_36 = arith.constant 10112 : i32
    %mul3A_37 = arith.muli %arg0, %mul3A_36 : i32
    %mul3A_38 = arith.constant 632 : i32
    %mul3A_39 = arith.muli %arg1, %mul3A_38 : i32
    %add3A_40 = arith.addi %mul3A_37, %mul3A_39 : i32
    "tpu.region"() ({
      %run_scoped3A = tpu.sem_alloc : memref<!tpu.dma_semaphore, #tpu.memory_space<semaphore_mem>>
      %dma_start3A = arith.constant 0 : i32
      %dma_start3A_41 = tpu.memref_slice %arg5[%add3A_40, %dma_start3A] : memref<20224x128xf32, #tpu.memory_space<hbm>> -> memref<632x128xf32, #tpu.memory_space<hbm>>
      %dma_start3A_42 = arith.constant 0 : i32
      %dma_start3A_43 = tpu.memref_slice %arg9[%mul3A_35, %dma_start3A_42] : memref<10112x128xf32, #tpu.memory_space<vmem_shared>> -> memref<632x128xf32, #tpu.memory_space<vmem_shared>>
      tpu.enqueue_dma source(%dma_start3A_43 : memref<632x128xf32, #tpu.memory_space<vmem_shared>>) target(%dma_start3A_41 : memref<632x128xf32, #tpu.memory_space<hbm>>) target_semaphore(%run_scoped3A : memref<!tpu.dma_semaphore, #tpu.memory_space<semaphore_mem>>)
      %dma_wait3A = arith.constant 0 : i32
      %dma_wait3A_44 = tpu.memref_slice %arg5[%add3A_40, %dma_wait3A] : memref<20224x128xf32, #tpu.memory_space<hbm>> -> memref<632x128xf32, #tpu.memory_space<hbm>>
      %dma_wait3A_45 = arith.constant 0 : i32
      %dma_wait3A_46 = tpu.memref_slice %arg9[%mul3A_35, %dma_wait3A_45] : memref<10112x128xf32, #tpu.memory_space<vmem_shared>> -> memref<632x128xf32, #tpu.memory_space<vmem_shared>>
      tpu.wait_dma2 semaphore(%run_scoped3A : memref<!tpu.dma_semaphore, #tpu.memory_space<semaphore_mem>>) src(%dma_wait3A_46 : memref<632x128xf32, #tpu.memory_space<vmem_shared>>) dst(%dma_wait3A_44 : memref<632x128xf32, #tpu.memory_space<hbm>>)
      tpu.yield
    }) : () -> ()
    return
  }
}

module attributes {stable_mosaic.version = 14 : i64} {
  func.func @_mlp_body(%arg0: i32, %arg1: memref<1000x128xf32, #tpu.memory_space<vmem>>, %arg2: memref<1000x128xf32, #tpu.memory_space<vmem>>, %arg3: memref<1000x128xf32, #tpu.memory_space<vmem>>, %arg4: memref<128x128xf32, #tpu.memory_space<vmem>>, %arg5: memref<1x128xf32, #tpu.memory_space<vmem>>, %arg6: memref<128x128xf32, #tpu.memory_space<vmem>>, %arg7: memref<1x128xf32, #tpu.memory_space<vmem>>, %arg8: memref<1000x128xf32, #tpu.memory_space<vmem>>) attributes {dimension_semantics = [#tpu.dimension_semantics<arbitrary>], iteration_bounds = array<i64: 10>, scalar_prefetch = 0 : i64, scratch_operands = 0 : i64, tpu.core_type = #tpu.core_type<tc>, window_params = [{transform_indices = @transform_0, window_bounds = array<i64: 1000, 128>}, {transform_indices = @transform_1, window_bounds = array<i64: 1000, 128>}, {transform_indices = @transform_2, window_bounds = array<i64: 1000, 128>}, {pipeline_mode = #tpu.pipeline_mode<synchronous>, transform_indices = @transform_3, window_bounds = array<i64: 128, 128>}, {pipeline_mode = #tpu.pipeline_mode<synchronous>, transform_indices = @transform_4, window_bounds = array<i64: 1, 128>}, {pipeline_mode = #tpu.pipeline_mode<synchronous>, transform_indices = @transform_5, window_bounds = array<i64: 128, 128>}, {pipeline_mode = #tpu.pipeline_mode<synchronous>, transform_indices = @transform_6, window_bounds = array<i64: 1, 128>}, {transform_indices = @transform_7, window_bounds = array<i64: 1000, 128>}]} {
    %get3A = arith.constant 0 : index
    %get3A_0 = arith.constant 0 : index
    %get3A_1 = vector.load %arg1[%get3A, %get3A_0] : memref<1000x128xf32, #tpu.memory_space<vmem>>, vector<1000x128xf32>
    %get3A_2 = arith.constant 0 : index
    %get3A_3 = arith.constant 0 : index
    %get3A_4 = vector.load %arg2[%get3A_2, %get3A_3] : memref<1000x128xf32, #tpu.memory_space<vmem>>, vector<1000x128xf32>
    %add3A = arith.addf %get3A_1, %get3A_4 : vector<1000x128xf32>
    %get3A_5 = arith.constant 0 : index
    %get3A_6 = arith.constant 0 : index
    %get3A_7 = vector.load %arg3[%get3A_5, %get3A_6] : memref<1000x128xf32, #tpu.memory_space<vmem>>, vector<1000x128xf32>
    %add3A_8 = arith.addf %add3A, %get3A_7 : vector<1000x128xf32>
    %get3A_9 = arith.constant 0 : index
    %get3A_10 = arith.constant 0 : index
    %get3A_11 = vector.load %arg4[%get3A_9, %get3A_10] : memref<128x128xf32, #tpu.memory_space<vmem>>, vector<128x128xf32>
    %dot_general3A = arith.constant dense<0.000000e+00> : vector<1000x128xf32>
    %dot_general3A_12 = tpu.matmul %add3A_8, %get3A_11, %dot_general3A {dimension_numbers = #tpu.dot_dimension_numbers<[1], [0], [0], [1], [0, 0, 1, 1], [], []>, transpose_lhs_hint = false} : vector<1000x128xf32>, vector<128x128xf32>, vector<1000x128xf32> -> vector<1000x128xf32>
    %get3A_13 = arith.constant 0 : index
    %get3A_14 = arith.constant 0 : index
    %get3A_15 = vector.load %arg5[%get3A_13, %get3A_14] : memref<1x128xf32, #tpu.memory_space<vmem>>, vector<1x128xf32>
    %add3A_16 = vector.broadcast %get3A_15 : vector<1x128xf32> to vector<1000x128xf32>
    %add3A_17 = arith.addf %dot_general3A_12, %add3A_16 : vector<1000x128xf32>
    %max3A = arith.constant 0.000000e+00 : f32
    %max3A_18 = vector.broadcast %max3A : f32 to vector<1000x128xf32>
    %max3A_19 = arith.maximumf %add3A_17, %max3A_18 : vector<1000x128xf32>
    %get3A_20 = arith.constant 0 : index
    %get3A_21 = arith.constant 0 : index
    %get3A_22 = vector.load %arg6[%get3A_20, %get3A_21] : memref<128x128xf32, #tpu.memory_space<vmem>>, vector<128x128xf32>
    %dot_general3A_23 = arith.constant dense<0.000000e+00> : vector<1000x128xf32>
    %dot_general3A_24 = tpu.matmul %max3A_19, %get3A_22, %dot_general3A_23 {dimension_numbers = #tpu.dot_dimension_numbers<[1], [0], [0], [1], [0, 0, 1, 1], [], []>, transpose_lhs_hint = false} : vector<1000x128xf32>, vector<128x128xf32>, vector<1000x128xf32> -> vector<1000x128xf32>
    %get3A_25 = arith.constant 0 : index
    %get3A_26 = arith.constant 0 : index
    %get3A_27 = vector.load %arg7[%get3A_25, %get3A_26] : memref<1x128xf32, #tpu.memory_space<vmem>>, vector<1x128xf32>
    %add3A_28 = vector.broadcast %get3A_27 : vector<1x128xf32> to vector<1000x128xf32>
    %add3A_29 = arith.addf %dot_general3A_24, %add3A_28 : vector<1000x128xf32>
    %swap3A = arith.constant 0 : index
    %swap3A_30 = arith.constant 0 : index
    %swap3A_31 = vector.load %arg8[%swap3A, %swap3A_30] : memref<1000x128xf32, #tpu.memory_space<vmem>>, vector<1000x128xf32>
    tpu.vector_store %arg8[%swap3A, %swap3A_30], %add3A_29 {strides = array<i32>} : memref<1000x128xf32, #tpu.memory_space<vmem>>, vector<1000x128xf32>,
    return
  }
  func.func @transform_0(%arg0: i32) -> (i32, i32) {
    %c0_i32 = arith.constant 0 : i32
    %c0_i32_0 = arith.constant 0 : i32
    return %arg0, %c0_i32 : i32, i32
  }
  func.func @transform_1(%arg0: i32) -> (i32, i32) {
    %c0_i32 = arith.constant 0 : i32
    %c0_i32_0 = arith.constant 0 : i32
    return %arg0, %c0_i32 : i32, i32
  }
  func.func @transform_2(%arg0: i32) -> (i32, i32) {
    %c0_i32 = arith.constant 0 : i32
    %c0_i32_0 = arith.constant 0 : i32
    return %arg0, %c0_i32 : i32, i32
  }
  func.func @transform_3(%arg0: i32) -> (i32, i32) {
    %c0_i32 = arith.constant 0 : i32
    %c0_i32_0 = arith.constant 0 : i32
    %c0_i32_1 = arith.constant 0 : i32
    return %c0_i32, %c0_i32_0 : i32, i32
  }
  func.func @transform_4(%arg0: i32) -> (i32, i32) {
    %c0_i32 = arith.constant 0 : i32
    %c0_i32_0 = arith.constant 0 : i32
    %c0_i32_1 = arith.constant 0 : i32
    return %c0_i32, %c0_i32_0 : i32, i32
  }
  func.func @transform_5(%arg0: i32) -> (i32, i32) {
    %c0_i32 = arith.constant 0 : i32
    %c0_i32_0 = arith.constant 0 : i32
    %c0_i32_1 = arith.constant 0 : i32
    return %c0_i32, %c0_i32_0 : i32, i32
  }
  func.func @transform_6(%arg0: i32) -> (i32, i32) {
    %c0_i32 = arith.constant 0 : i32
    %c0_i32_0 = arith.constant 0 : i32
    %c0_i32_1 = arith.constant 0 : i32
    return %c0_i32, %c0_i32_0 : i32, i32
  }
  func.func @transform_7(%arg0: i32) -> (i32, i32) {
    %c0_i32 = arith.constant 0 : i32
    %c0_i32_0 = arith.constant 0 : i32
    return %arg0, %c0_i32 : i32, i32
  }
}

module attributes {stable_mosaic.version = 14 : i64} {
  func.func @_mlp_body(%arg0: i32, %arg1: memref<1000x128xf32, #tpu.memory_space<vmem>>, %arg2: memref<1000x128xf32, #tpu.memory_space<vmem>>, %arg3: memref<1000x128xf32, #tpu.memory_space<vmem>>, %arg4: memref<128x128xf32, #tpu.memory_space<vmem>>, %arg5: memref<1x128xf32, #tpu.memory_space<vmem>>, %arg6: memref<128x128xf32, #tpu.memory_space<vmem>>, %arg7: memref<1x128xf32, #tpu.memory_space<vmem>>, %arg8: memref<1000x128xf32, #tpu.memory_space<vmem>>) attributes {dimension_semantics = [#tpu.dimension_semantics<arbitrary>], iteration_bounds = array<i64: 10>, scalar_prefetch = 0 : i64, scratch_operands = 0 : i64, tpu.core_type = #tpu.core_type<tc>, window_params = [{transform_indices = @transform_0, window_bounds = array<i64: 1000, 128>}, {transform_indices = @transform_1, window_bounds = array<i64: 1000, 128>}, {transform_indices = @transform_2, window_bounds = array<i64: 1000, 128>}, {pipeline_mode = #tpu.pipeline_mode<synchronous>, transform_indices = @transform_3, window_bounds = array<i64: 128, 128>}, {pipeline_mode = #tpu.pipeline_mode<synchronous>, transform_indices = @transform_4, window_bounds = array<i64: 1, 128>}, {pipeline_mode = #tpu.pipeline_mode<synchronous>, transform_indices = @transform_5, window_bounds = array<i64: 128, 128>}, {pipeline_mode = #tpu.pipeline_mode<synchronous>, transform_indices = @transform_6, window_bounds = array<i64: 1, 128>}, {transform_indices = @transform_7, window_bounds = array<i64: 1000, 128>}]} {
    %get3A = arith.constant 0 : index
    %get3A_0 = arith.constant 0 : index
    %get3A_1 = vector.load %arg1[%get3A, %get3A_0] : memref<1000x128xf32, #tpu.memory_space<vmem>>, vector<1000x128xf32>
    %get3A_2 = arith.constant 0 : index
    %get3A_3 = arith.constant 0 : index
    %get3A_4 = vector.load %arg2[%get3A_2, %get3A_3] : memref<1000x128xf32, #tpu.memory_space<vmem>>, vector<1000x128xf32>
    %add3A = arith.addf %get3A_1, %get3A_4 : vector<1000x128xf32>
    %get3A_5 = arith.constant 0 : index
    %get3A_6 = arith.constant 0 : index
    %get3A_7 = vector.load %arg3[%get3A_5, %get3A_6] : memref<1000x128xf32, #tpu.memory_space<vmem>>, vector<1000x128xf32>
    %add3A_8 = arith.addf %add3A, %get3A_7 : vector<1000x128xf32>
    %get3A_9 = arith.constant 0 : index
    %get3A_10 = arith.constant 0 : index
    %get3A_11 = vector.load %arg4[%get3A_9, %get3A_10] : memref<128x128xf32, #tpu.memory_space<vmem>>, vector<128x128xf32>
    %dot_general3A = arith.constant dense<0.000000e+00> : vector<1000x128xf32>
    %dot_general3A_12 = tpu.matmul %add3A_8, %get3A_11, %dot_general3A {dimension_numbers = #tpu.dot_dimension_numbers<[1], [0], [0], [1], [0, 0, 1, 1], [], []>, transpose_lhs_hint = false} : vector<1000x128xf32>, vector<128x128xf32>, vector<1000x128xf32> -> vector<1000x128xf32>
    %get3A_13 = arith.constant 0 : index
    %get3A_14 = arith.constant 0 : index
    %get3A_15 = vector.load %arg5[%get3A_13, %get3A_14] : memref<1x128xf32, #tpu.memory_space<vmem>>, vector<1x128xf32>
    %add3A_16 = vector.broadcast %get3A_15 : vector<1x128xf32> to vector<1000x128xf32>
    %add3A_17 = arith.addf %dot_general3A_12, %add3A_16 : vector<1000x128xf32>
    %max3A = arith.constant 0.000000e+00 : f32
    %max3A_18 = vector.broadcast %max3A : f32 to vector<1000x128xf32>
    %max3A_19 = arith.maximumf %add3A_17, %max3A_18 : vector<1000x128xf32>
    %get3A_20 = arith.constant 0 : index
    %get3A_21 = arith.constant 0 : index
    %get3A_22 = vector.load %arg6[%get3A_20, %get3A_21] : memref<128x128xf32, #tpu.memory_space<vmem>>, vector<128x128xf32>
    %dot_general3A_23 = arith.constant dense<0.000000e+00> : vector<1000x128xf32>
    %dot_general3A_24 = tpu.matmul %max3A_19, %get3A_22, %dot_general3A_23 {dimension_numbers = #tpu.dot_dimension_numbers<[1], [0], [0], [1], [0, 0, 1, 1], [], []>, transpose_lhs_hint = false} : vector<1000x128xf32>, vector<128x128xf32>, vector<1000x128xf32> -> vector<1000x128xf32>
    %get3A_25 = arith.constant 0 : index
    %get3A_26 = arith.constant 0 : index
    %get3A_27 = vector.load %arg7[%get3A_25, %get3A_26] : memref<1x128xf32, #tpu.memory_space<vmem>>, vector<1x128xf32>
    %add3A_28 = vector.broadcast %get3A_27 : vector<1x128xf32> to vector<1000x128xf32>
    %add3A_29 = arith.addf %dot_general3A_24, %add3A_28 : vector<1000x128xf32>
    %max3A_30 = arith.constant 0.000000e+00 : f32
    %max3A_31 = vector.broadcast %max3A_30 : f32 to vector<1000x128xf32>
    %max3A_32 = arith.maximumf %add3A_29, %max3A_31 : vector<1000x128xf32>
    %swap3A = arith.constant 0 : index
    %swap3A_33 = arith.constant 0 : index
    %swap3A_34 = vector.load %arg8[%swap3A, %swap3A_33] : memref<1000x128xf32, #tpu.memory_space<vmem>>, vector<1000x128xf32>
    tpu.vector_store %arg8[%swap3A, %swap3A_33], %max3A_32 {strides = array<i32>} : memref<1000x128xf32, #tpu.memory_space<vmem>>, vector<1000x128xf32>,
    return
  }
  func.func @transform_0(%arg0: i32) -> (i32, i32) {
    %c0_i32 = arith.constant 0 : i32
    %c0_i32_0 = arith.constant 0 : i32
    return %arg0, %c0_i32 : i32, i32
  }
  func.func @transform_1(%arg0: i32) -> (i32, i32) {
    %c0_i32 = arith.constant 0 : i32
    %c0_i32_0 = arith.constant 0 : i32
    return %arg0, %c0_i32 : i32, i32
  }
  func.func @transform_2(%arg0: i32) -> (i32, i32) {
    %c0_i32 = arith.constant 0 : i32
    %c0_i32_0 = arith.constant 0 : i32
    return %arg0, %c0_i32 : i32, i32
  }
  func.func @transform_3(%arg0: i32) -> (i32, i32) {
    %c0_i32 = arith.constant 0 : i32
    %c0_i32_0 = arith.constant 0 : i32
    %c0_i32_1 = arith.constant 0 : i32
    return %c0_i32, %c0_i32_0 : i32, i32
  }
  func.func @transform_4(%arg0: i32) -> (i32, i32) {
    %c0_i32 = arith.constant 0 : i32
    %c0_i32_0 = arith.constant 0 : i32
    %c0_i32_1 = arith.constant 0 : i32
    return %c0_i32, %c0_i32_0 : i32, i32
  }
  func.func @transform_5(%arg0: i32) -> (i32, i32) {
    %c0_i32 = arith.constant 0 : i32
    %c0_i32_0 = arith.constant 0 : i32
    %c0_i32_1 = arith.constant 0 : i32
    return %c0_i32, %c0_i32_0 : i32, i32
  }
  func.func @transform_6(%arg0: i32) -> (i32, i32) {
    %c0_i32 = arith.constant 0 : i32
    %c0_i32_0 = arith.constant 0 : i32
    %c0_i32_1 = arith.constant 0 : i32
    return %c0_i32, %c0_i32_0 : i32, i32
  }
  func.func @transform_7(%arg0: i32) -> (i32, i32) {
    %c0_i32 = arith.constant 0 : i32
    %c0_i32_0 = arith.constant 0 : i32
    return %arg0, %c0_i32 : i32, i32
  }
}

</mosaic_0001>

<sc_bundles>
// kernel: kernel.6.cloned.1.call-start
scs
__scs_entry_jumppad:
0x0: {  	(pc) =	sbr.rel $0x88, $3  }
0x1: {  	(tag) =	ssettag $0x0;
	lr =	simm.s32 $0x1  }
0x2: {  	[smem:$0x3F97] =	sst lr;
	_ =	strace $0xD0000000  }
0x3: {  	_ = 	snop  }
0x4: {  	_ = 	snop  }
0x5: {  	_ = 	snop  }
0x6: {  	_ = 	snop  }
0x7: {  	_ = 	snop  }
__scs_overlays_trampoline_lowered:
0x8: {  	[smem:$0x3FA6] =	sst s0  }
0x9: {  	[smem:$0x3FA7] =	sst s1  }
0xa: {  	[smem:$0x3FA8] =	sst s2  }
0xb: {  	[smem:$0x3FA9] =	sst s3  }
0xc: {  	[smem:$0x3FAA] =	sst s4  }
0xd: {  	[smem:$0x3FAB] =	sst s5  }
0xe: {  	[smem:$0x3FAC] =	sst s6  }
0xf: {  	[smem:$0x3FAD] =	sst s7  }
0x10: {  	[smem:$0x3FAE] =	sst s8  }
0x11: {  	[smem:$0x3FAF] =	sst s9;
	s0 =	simm.s32 @!p0 $0x0  }
0x12: {  	s1 =	sld [smem:$0x3F95];
	s0 =	simm.s32 @p0 $0x1  }
0x13: {  	[smem:$0x3FB0] =	sst s0;
	s0 =	simm.s32 @!p1 $0x0  }
0x14: {  	s2 =	sld [smem:$0x3F94];
	s0 =	simm.s32 @p1 $0x1  }
0x15: {  	[smem:$0x3FB1] =	sst s0;
	s0 =	simm.s32 @!p2 $0x0  }
0x16: {  	s3 =	sld [smem:$0x3FDB];
	s0 =	simm.s32 @p2 $0x1  }
0x17: {  	s4 =	simm.s32 $0x1BF5;
	[smem:$0x3FB3] =	sst s0  }
0x18: {  	s0 =	sld [smem:$0x3F96];
	_ =	swait.ge [sflag:s4], $0x0  }
0x19: {  	s7 =	sld [smem:$0x3F97]  }
0x1a: {  	s8 =	sadd.s32 $0xFFFFE003, lr  }
0x1b: {  	s9 =	sadd.s32 $0xFFFFFEF7, lr;
	s5 =	simm.s32 $0xFFFFFFFF;
	p2 =	slt.u32 s8, $0xFFFFF086  }
0x1c: {  	p1 =	slt.u32 s9, $0xF7A;
	s5 =	simm.s32 @!p2 $0x0  }
0x1d: {  	s5 =	simm.s32 @p1 $0x1;
	p0 =	seq.s32 s7, s2  }
0x1e: {  	s7 =	smul.u32 @!p0 $0xF7A, s2;
	p2 =	seq.s32 @!p0 s5, $0x0  }
0x1f: {  	s9 =	smul.u32 $0xF7A, s1;
	s8 =	simm.s32 @!p0 $0x1BF5;
	p2 =	por !p2, p0  }
0x20: {  	[sflag:s8] =	ssyncset.s32 @!p0 $0xFFFFF086;
	s6 =	sadd.s32 @!p0 s3, s7;
	s7 =	simm.s32 @!p0 $0x108  }
0x21: {  	s3 =	sadd.s32 s3, s9;
	s6 =	sadd.s32 @!p0 $0x88, s6;
	s7 =	simm.s32 @p2 $0x1082  }
0x22: {  	[simem:s7], [sflag:s8] =	dma.local @!p0 [hbm:s6], $0xF7A  }
0x23: {  	s9 =	sor.u32 $0xD0000000, s2;
	s6 =	simm.s32 $0x108;
	_ =	swait.ge @!p0 [sflag:s8], $0x0  }
0x24: {  	s3 =	sadd.s32 $0x88, s3;
	s6 =	simm.s32 @!p1 $0x1082;
	[sflag:s4] =	ssyncset.s32 $0xFFFFF086  }
0x25: {  	[simem:s6], [sflag:s4] =	dma.local [hbm:s3], $0xF7A  }
0x26: {  	[smem:$0x3F97] =	sst s1;
	(tag) =	ssettag s2;
	_ =	strace s9  }
0x27: {  	s1 =	sld [smem:$0x3FA7]  }
0x28: {  	s2 =	sld [smem:$0x3FA8]  }
0x29: {  	s4 =	sld [smem:$0x3FAA]  }
0x2a: {  	p0 =	seq.s32 s5, $0x0;
	s5 =	sld [smem:$0x3FAB]  }
0x2b: {  	s6 =	sld [smem:$0x3FAC]  }
0x2c: {  	s7 =	sld [smem:$0x3FAD]  }
0x2d: {  	s3 =	simm.s32 $0x108;
	s8 =	sld [smem:$0x3FAE]  }
0x2e: {  	s3 =	simm.s32 @!p0 $0x1082;
	s9 =	sld [smem:$0x3FAF]  }
0x2f: {  	lr =	sadd.s32 s0, s3;
	s0 =	sld [smem:$0x3FA6]  }
0x30: {  	s3 =	sld [smem:$0x3FA9]  }
0x31: {  	[smem:$0x3FB2] =	sst s10  }
0x32: {  	s10 =	sld [smem:$0x3FB0];
	_ =	sdelay $0x3  }
0x33: {  	p0 =	seq.s32 s10, $0x1;
	s10 =	sld [smem:$0x3FB2];
	_ =	sdelay $0x3  }
0x34: {  	[smem:$0x3FB2] =	sst s10  }
0x35: {  	s10 =	sld [smem:$0x3FB1];
	_ =	sdelay $0x3  }
0x36: {  	p1 =	seq.s32 s10, $0x1;
	s10 =	sld [smem:$0x3FB2];
	_ =	sdelay $0x3  }
0x37: {  	[smem:$0x3FB2] =	sst s10  }
0x38: {  	s10 =	sld [smem:$0x3FB3]  }
0x39: {  	_ = 	snop;
	(pc) =	sbr.ind lr, $3  }
0x3a: {  	_ = 	snop  }
0x3b: {  	_ = 	snop  }
0x3c: {  	p2 =	seq.s32 s10, $0x1;
	s10 =	sld [smem:$0x3FB2]  }
0x3d: {  	_ =	shalt  }
0x3e: {  	_ =	shalt  }
0x3f: {  	_ =	shalt  }
0x40: {  	_ =	shalt  }
0x41: {  	_ =	shalt  }
0x42: {  	_ =	shalt  }
0x43: {  	_ =	shalt  }
0x44: {  	_ =	shalt  }
0x45: {  	_ =	shalt  }
0x46: {  	_ =	shalt  }
0x47: {  	_ =	shalt  }
0x48: {  	_ =	shalt  }
0x49: {  	_ =	shalt  }
0x4a: {  	_ =	shalt  }
0x4b: {  	_ =	shalt  }
0x4c: {  	_ =	shalt  }
0x4d: {  	_ =	shalt  }
0x4e: {  	_ =	shalt  }
0x4f: {  	_ =	shalt  }
0x50: {  	_ =	shalt  }
0x51: {  	_ =	shalt  }
0x52: {  	_ =	shalt  }
0x53: {  	_ =	shalt  }
0x54: {  	_ =	shalt  }
0x55: {  	_ =	shalt  }
0x56: {  	_ =	shalt  }
0x57: {  	_ =	shalt  }
0x58: {  	_ =	shalt  }
0x59: {  	_ =	shalt  }
0x5a: {  	_ =	shalt  }
0x5b: {  	_ =	shalt  }
0x5c: {  	_ =	shalt  }
0x5d: {  	_ =	shalt  }
0x5e: {  	_ =	shalt  }
0x5f: {  	_ =	shalt  }
0x60: {  	_ =	shalt  }
0x61: {  	_ =	shalt  }
0x62: {  	_ =	shalt  }
0x63: {  	_ =	shalt  }
0x64: {  	_ =	shalt  }
0x65: {  	_ =	shalt  }
0x66: {  	_ =	shalt  }
0x67: {  	_ =	shalt  }
0x68: {  	_ =	shalt  }
0x69: {  	_ =	shalt  }
0x6a: {  	_ =	shalt  }
0x6b: {  	_ =	shalt  }
0x6c: {  	_ =	shalt  }
0x6d: {  	_ =	shalt  }
0x6e: {  	_ =	shalt  }
0x6f: {  	_ =	shalt  }
0x70: {  	_ =	shalt  }
0x71: {  	_ =	shalt  }
0x72: {  	_ =	shalt  }
0x73: {  	_ =	shalt  }
0x74: {  	_ =	shalt  }
0x75: {  	_ =	shalt  }
0x76: {  	_ =	shalt  }
0x77: {  	_ =	shalt  }
0x78: {  	_ =	shalt  }
0x79: {  	_ =	shalt  }
0x7a: {  	_ =	shalt  }
0x7b: {  	_ =	shalt  }
0x7c: {  	_ =	shalt  }
0x7d: {  	_ =	shalt  }
0x7e: {  	_ =	shalt  }
0x7f: {  	_ =	shalt  }
0x80: {  	_ =	shalt  }
0x81: {  	_ =	shalt  }
0x82: {  	_ =	shalt  }
0x83: {  	_ =	shalt  }
0x84: {  	_ =	shalt  }
0x85: {  	_ =	shalt  }
0x86: {  	_ =	shalt  }
0x87: {  	_ =	shalt  }
.Lfunc_end0:
.L_simem_size_0:
called_computation_lowered:
.L_overlay_start_0:
0x88: {  	s2 =	sld [smem:$0x3FD9]  }
0x89: {  	s3 =	sld [smem:$0x3FFE];
	_ =	sdelay $0x1  }
0x8a: {  	s1 =	srdreg.scid  }
0x8b: {  	s0 =	sand.u32 $0x1, s1  }
0x8c: {  	s17 =	sshll.u32 s0, $0xA;
	s2 =	sadd.s32 s3, s2  }
0x8d: {  	s2 =	sadd.s32 s2, s17  }
0x8e: {  	[smem:$0x3FBE] =	sst s2  }
0x8f: {  	_ = 	snop  }
0x90: {  	s2 =	sld [smem:$0x3FC9];
	(tm) =	ssettm $0x1  }
0x91: {  	s18 =	sld [smem:$0x3FFB];
	_ =	sdelay $0x3  }
0x92: {  	_ =	strace s18  }
0x93: {  	s3 =	sld [smem:$0x3FFC];
	_ =	sdelay $0x3  }
0x94: {  	_ =	strace s3  }
0x95: {  	s3 =	sld [smem:$0x3FFD];
	_ =	sdelay $0x3  }
0x96: {  	_ =	strace s3  }
0x97: {  	_ =	strace $0x8FFFFFFF  }
0x98: {  	s19 =	sld [smem:$0x3FDB];
	_ =	sdelay $0x1  }
0x99: {  	s4 =	simm.s32 $_scs_section_size  }
0x9a: {  	s5 =	simm.s32 $_size__tile_overlayer_lowered;
	s6 =	simm.s32 $_tile_overlayer_lowered  }
0x9b: {  	s22 =	simm.s32 $0x1BFF;
	s21 =	sshll.u32 s6, $0x1;
	s3 =	sadd.s32 s4, s19  }
0x9c: {  	s7 =	simm.s32 $0x0;
	s20 =	sshll.u32 s5, $0x1;
	s5 =	sadd.s32 s21, s3  }
0x9d: {  	[timem:s7], [sflag:s22] =	dma.local [hbm:s5], s20  }
0x9e: {  	_ =	swait.ge [sflag:s22], s20  }
0x9f: {  	s4 =	ssub.s32 $0x0, s20;
	[sflag:s22] =	ssyncset.done $0x0  }
0xa0: {  	[sflag:s22] =	ssyncadd.s32 s4;
	_ =	sdelay $0x1  }
0xa1: {  	s23 =	simm.s32 $0x1B8B  }
0xa2: {  	_ =	swait.ge [sflag:s23], $0x1  }
0xa3: {  	[sflag:s23] =	ssyncset.done $0x0  }
0xa4: {  	s25 =	simm.s32 $0x1B8E;
	s24 =	sld [smem:$0x3FFE];
	[sflag:s23] =	ssyncadd.s32 $0xFFFFFFFF  }
0xa5: {  	s26 =	simm.s32 $execute0_lowered;
	[smem:$0x3FD2] =	sst s25  }
0xa6: {  	s5 =	sshll.u32 s26, $0x1;
	_ =	strace $0x80000046;
	[dreg:$0x1] =	wrdreg $0xFFFFFFFF  }
0xa7: {  	s28 =	simm.s32 $_size_execute0_lowered;
	s3 =	sadd.s32 s3, s5;
	[dreg:$0x0] =	wrdreg $0x0  }
0xa8: {  	s5 =	sshll.u32 s28, $0x1;
	[dreg:$0x2] =	wrdreg s3  }
0xa9: {  	[dreg:$0x3] =	wrdreg s5  }
0xaa: {  	[dreg:$0x4] =	wrdreg $0xC0  }
0xab: {  	_ =	task [dreg:s7], $0x5FFFF  }
0xac: {  	[dreg:$0x1] =	wrdreg $0xFFFFFFFF  }
0xad: {  	[dreg:$0x0] =	wrdreg $0x60  }
0xae: {  	[dreg:$0x2] =	wrdreg s2  }
0xaf: {  	[dreg:$0x3] =	wrdreg s24  }
0xb0: {  	[dreg:$0x4] =	wrdreg $0x90000  }
0xb1: {  	[dreg:$0x5] =	wrdreg $0x9  }
0xb2: {  	_ =	task.clear_ibuf [dreg:s7], $0x6FFFF;
	_ =	strace $0x90000046  }
0xb3: {  	s29 =	simm.s32 $0x9;
	_ =	strace $0x80000048  }
0xb4: {  	_ =	swait.ge [sflag:s29], $0x1  }
0xb5: {  	[sflag:s29] =	ssyncadd.s32 $0xFFFFFFFF  }
0xb6: {  	_ =	strace $0x90000048  }
0xb7: {  	_ =	sfence  }
0xb8: {  	s30 =	sld [smem:$0x0];
	_ =	sdelay $0x2  }
0xb9: {  	s31 =	sshll.u32 s1, $0xD;
	s1 =	sshrl.u32 s1, $0x2  }
0xba: {  	s3 =	sand.u32 $0x4000, s31;
	s1 =	sadd.s32 s1, s30  }
0xbb: {  	s0 =	sor.u32 s3, s0;
	s1 =	sshll.u32 s1, $0x11  }
0xbc: {  	s0 =	sor.u32 s1, s0  }
0xbd: {  	s0 =	sadd.s32 $0x8F2B, s0  }
0xbe: {  	[sflag:s0] =	ssyncadd.remote.s32 $0x1  }
0xbf: {  	_ =	sfence.sel $0xFFFF  }
0xc0: {  	[dreg:$0x0] =	wrdreg $0xFFFFFFFF;
	(pc) =	sbr.abs _section_cstart, $3  }
0xc1: {  	[dreg:$0x1] =	wrdreg $0xFFFFFFFF  }
0xc2: {  	_ =	task.clear_ibuf [dreg:s7], $0x2FFFF;
	_ =	strace $0x9FFFFFFF  }
0xc3: {  	(tm) =	ssettm $0x7FFFFFFF  }
tec
execute0_lowered:
.L_overlay_start_1:
0x0: {  	(tag) =	ssettag $0x1  }
0x1: {  	s1 =	rddreg [dreg:$0x0]  }
0x2: {  	s2 =	srdreg.scid;
	s6 =	rddreg [dreg:$0x1]  }
0x3: {  	s0 =	stileid.u32;
	s3 =	rddreg [dreg:$0x2]  }
0x4: {  	s4 =	simm.s32 $0x0;
	s14 =	simm.s32 $0x2;
	s15 =	simm.s32 $0x2800  }
0x5: {  	s16 =	simm.s32 $0x5000;
	s17 =	simm.s32 $0x80;
	s18 =	simm.s32 $0x1  }
0x6: {  	s21 =	simm.s32 $0x0;
	s5 =	sand.u32 $0x1, s2;
	s8 =	smul.u32 $0x2780, s0  }
0x7: {  	s29 =	sshll.u32 s0, $0x1;
	[smem:$0x7FF] =	sst s4;
	s10 =	smul.u32 $0x4F000, s0  }
0x8: {  	s19 =	sshll.u32 s0, $0x6;
	s2 =	sor.u32 s5, s29;
	s9 =	smul.u32 $0x27800, s5  }
0x9: {  	s5 =	ssub.s32 $0x2, s5;
	s19 =	sor.u32 $0x1C02, s19;
	s7 =	smul.u32 $0x500, s2  }
0xa: {  	s2 =	rddreg [dreg:$0x3];
	_ =	strace $0x80000047;
	s30 =	sshrl.u32 s5, $0x1  }
0xb: {  	s31 =	sshrl.u32 s10, $0x2;
	s8 =	sadd.s32 s8, s9;
	s13 =	ssub.s32 s5, s30  }
0xc: {  	s7 =	sadd.s32 s7, s6;
	s12 =	sadd.s32 s8, s6;
	s13 =	smax.u32 s13, $0x1  }
0xd: {  	s5 =	sadd.s32 $0xC000, s7;
	s6 =	sadd.s32 $0x2000, s7;
	s7 =	sadd.s32 s31, s3  }
0xe: {  	s12 =	sadd.s32 $0x16000, s12;
	s8 =	sadd.s32 $0x4000, s7;
	s9 =	sadd.s32 $0x8000, s7  }
0xf: {  	v0 =	vimm.f32 $0.0e+00;
	s10 =	sadd.s32 $0xC000, s7;
	s11 =	sadd.s32 $0x10000, s7;
	s20 =	sshrl.u32 s7, $0x3  }
.LBB2_1:
0x10: {  	[tilespmem:s4], [sflag:$0x2] =	stream.linear.gather [hbm4b:s5+s4], $0x2780, $0x38;
	[tilespmem:$0x1CC00] =	vst v63  }
0x11: {  	_ =	swait.ge [sflag:s14], $0x2780  }
0x12: {  	[sflag:s14] =	ssyncset.done $0x0  }
0x13: {  	[sflag:s14] =	ssyncadd.s32 $0xFFFFD880  }
0x14: {  	[tilespmem:s15], [sflag:$0x2] =	stream.linear.gather [hbm4b:s6+s4], $0x2780, $0x38;
	[tilespmem:$0x1CC00] =	vst v63  }
0x15: {  	s22 =	sand.u32 $0xFE00, s4;
	s23 =	sand.u32 $0x70, s4;
	_ =	swait.ge [sflag:s14], $0x2780  }
0x16: {  	s24 =	sshrl.u32 s22, $0x2;
	s22 =	simm.s32 $0x40;
	[sflag:s14] =	ssyncset.done $0x0  }
0x17: {  	s24 =	sor.u32 s23, s24;
	s23 =	simm.s32 $0x0;
	[sflag:s14] =	ssyncadd.s32 $0xFFFFD880  }
.LBB2_2:
0x18: {  	p0 =	sne.s32 s22, $0xFFC0  }
0x19: {  	[tilespmem:s24+$0x5000] =	vst v0;
	s23 =	sadd.s32 $0x10, s23;
	s24 =	smov.u32 s22;
	s22 =	sadd.s32 $0x40, s22  }
.Ltmp0:
0x1a: {  	(pc) =	sbr.rel @p0 .LBB2_2-.Ltmp0, $4  }
0x1b: {  	_ = 	snop  }
0x1c: {  	s24 =	sand.u32 $0xFE00, s24  }
0x1d: {  	s25 =	sand.u32 $0x70, s23;
	s24 =	sshrl.u32 s24, $0x2  }
0x1e: {  	s24 =	sor.u32 s25, s24  }
0x1f: {  	[tilespmem:s24+$0x5000] =	vst v0  }
0x20: {  	[spmem:s7] =	stream.linear.scatter [tilespmem:s16], [sflag:$0x2], $0x4000, $0x38;
	[tilespmem:$0x1CC00] =	vst v63  }
0x21: {  	_ =	swait.ge [sflag:s14], $0x4000  }
0x22: {  	[sflag:s14] =	ssyncset.done $0x0  }
0x23: {  	[sflag:s14] =	ssyncadd.s32 $0xFFFFC000  }
0x24: {  	[spmem:s8] =	stream.linear.scatter [tilespmem:s16], [sflag:$0x2], $0x4000, $0x38;
	[tilespmem:$0x1CC00] =	vst v63  }
0x25: {  	_ =	swait.ge [sflag:s14], $0x4000  }
0x26: {  	[sflag:s14] =	ssyncset.done $0x0  }
0x27: {  	[sflag:s14] =	ssyncadd.s32 $0xFFFFC000  }
0x28: {  	[spmem:s9] =	stream.linear.scatter [tilespmem:s16], [sflag:$0x2], $0x4000, $0x38;
	[tilespmem:$0x1CC00] =	vst v63  }
0x29: {  	_ =	swait.ge [sflag:s14], $0x4000  }
0x2a: {  	[sflag:s14] =	ssyncset.done $0x0  }
0x2b: {  	[sflag:s14] =	ssyncadd.s32 $0xFFFFC000  }
0x2c: {  	[spmem:s10] =	stream.linear.scatter [tilespmem:s16], [sflag:$0x2], $0x4000, $0x38;
	[tilespmem:$0x1CC00] =	vst v63  }
0x2d: {  	_ =	swait.ge [sflag:s14], $0x4000  }
0x2e: {  	[sflag:s14] =	ssyncset.done $0x0  }
0x2f: {  	[sflag:s14] =	ssyncadd.s32 $0xFFFFC000  }
0x30: {  	[spmem:s11] =	stream.linear.scatter [tilespmem:s16], [sflag:$0x2], $0x3C00, $0x38;
	[tilespmem:$0x1CC00] =	vst v63  }
0x31: {  	_ =	swait.ge [sflag:s14], $0x3C00  }
0x32: {  	[sflag:s14] =	ssyncset.done $0x0  }
0x33: {  	[sflag:s14] =	ssyncadd.s32 $0xFFFFC400  }
0x34: {  	s22 =	simm.s32 $0x0;
	[bflag:$0x0] =	sbarrier.arrive $0xFFFF  }
0x35: {  	[tilespmem:s16], [sflag:$0x1] =	stream.indirect.gather [hbm4b:s1+s17], $0x80, s22, s17, $0xb8;
	[tilespmem:$0x1CC00] =	vst v63  }
0x36: {  	_ =	swait.ge [sflag:s18], $0x4000  }
0x37: {  	[sflag:s18] =	ssyncset.done $0x0  }
0x38: {  	s31 =	simm.s32 $0x2800;
	[sflag:s18] =	ssyncadd.s32 $0xFFFFC000  }
0x39: {  	[spmem:s3] =	stream.indirect.scatter.add.f32 [tilespmem:s16], [sflag:$0x2], $0x80, s31, s17, $0xb8;
	[tilespmem:$0x1CC00] =	vst v63  }
0x3a: {  	_ =	swait.ge [sflag:s14], $0x4000  }
0x3b: {  	s23 =	simm.s32 $0x400;
	s22 =	simm.s32 $0x200;
	[sflag:s14] =	ssyncset.done $0x0  }
.LBB2_4:
0x3c: {  	s24 =	sshra.s32 s22, $0x2  }
0x3d: {  	[sflag:s14] =	ssyncadd.s32 $0xFFFFC000;
	s22 =	smov.u32 s23;
	s25 =	sadd.s32 $0x200, s23  }
0x3e: {  	[tilespmem:s16], [sflag:$0x1] =	stream.indirect.gather [hbm4b:s1+s17], $0x80, s24, s17, $0xb8;
	[tilespmem:$0x1CC00] =	vst v63  }
0x3f: {  	p0 =	sne.s32 s23, $0x9C00;
	_ =	swait.ge [sflag:s18], $0x4000  }
.Ltmp1:
0x40: {  	[sflag:s18] =	ssyncset.done $0x0;
	(pc) =	sbr.rel @p0 .LBB2_4-.Ltmp1, $4  }
0x41: {  	s23 =	sadd.s32 $0x2800, s24;
	[sflag:s18] =	ssyncadd.s32 $0xFFFFC000  }
0x42: {  	[spmem:s3] =	stream.indirect.scatter.add.f32 [tilespmem:s16], [sflag:$0x2], $0x80, s23, s17, $0xb8;
	[tilespmem:$0x1CC00] =	vst v63  }
0x43: {  	_ =	swait.ge [sflag:s14], $0x4000  }
0x44: {  	s23 =	smov.u32 s25;
	[sflag:s14] =	ssyncset.done $0x0  }
0x45: {  	s22 =	sshra.s32 s22, $0x2;
	[sflag:s14] =	ssyncadd.s32 $0xFFFFC000  }
0x46: {  	[tilespmem:s16], [sflag:$0x1] =	stream.indirect.gather [hbm4b:s1+s17], $0x80, s22, s17, $0xb8;
	[tilespmem:$0x1CC00] =	vst v63  }
0x47: {  	_ =	swait.ge [sflag:s18], $0x4000  }
0x48: {  	[sflag:s18] =	ssyncset.done $0x0  }
0x49: {  	s22 =	sadd.s32 $0x2800, s22;
	[sflag:s18] =	ssyncadd.s32 $0xFFFFC000  }
0x4a: {  	[spmem:s3] =	stream.indirect.scatter.add.f32 [tilespmem:s16], [sflag:$0x2], $0x80, s22, s17, $0xb8;
	[tilespmem:$0x1CC00] =	vst v63  }
0x4b: {  	_ =	swait.ge [sflag:s14], $0x4000  }
0x4c: {  	s21 =	sadd.s32 $0x1, s21;
	[sflag:s14] =	ssyncset.done $0x0  }
0x4d: {  	p0 =	sne.s32 s21, s13;
	[sflag:s14] =	ssyncadd.s32 $0xFFFFC000  }
.Ltmp2:
0x4e: {  	[bflag:$0x0] =	sbarrier.arrive $0xFFFF;
	(pc) =	sbr.rel @p0 .LBB2_1-.Ltmp2, $4  }
0x4f: {  	[hbm:s12], [sflag:s19] =	dma.local [spmem:s20], $0x2780  }
0x50: {  	_ =	swait.ge [sflag:s14], $0x2780  }
0x51: {  	[sflag:s14] =	ssyncset.done $0x0  }
0x52: {  	[sflag:s14] =	ssyncadd.s32 $0xFFFFD880  }
0x53: {  	_ =	sfence.sel $0x180000  }
0x54: {  	[bflag:$0x0] =	sbarrier.arrive $0xFFFF  }
0x55: {  	p0 =	sne.s32 s0, $0x0;
	_ =	strace $0x90000047  }
0x56: {  	s0 =	sadd.s32 @!p0 $0x100000, s2;
	[bflag:$0x2] =	sbarrier.arrive $0xFFFF  }
0x57: {  	[sflag:s0] =	ssyncadd.tile.s32 @!p0 $0x1;
	_ =	shalt  }
.Lfunc_end2:
_tile_overlayer_lowered:
.L_overlay_start_2:
0x58: {  	(tag) =	ssettag $0x2  }
0x59: {  	s0 =	rddreg [dreg:$0x0];
	s2 =	stileid.u32  }
0x5a: {  	s1 =	rddreg [dreg:$0x1];
	p0 =	sne.s32 s2, $0x0  }
0x5b: {  	s3 =	rddreg [dreg:$0x2];
	[bflag:$0x3] =	sbarrier.arrive $0xFFFF;
	s2 =	simm.s32 @!p0 $0x1C02  }
0x5c: {  	[timem:s3], [sflag:s2] =	dma.local @!p0 [hbm:s0], s1  }
0x5d: {  	s0 =	simm.s32 @!p0 $0x2  }
0x5e: {  	_ =	swait.ge @!p0 [sflag:s0], s1  }
0x5f: {  	s1 =	ssub.s32 @!p0 $0x0, s1;
	[sflag:s0] =	ssyncset.done @!p0 $0x0  }
0x60: {  	[sflag:s0] =	ssyncadd.s32 @!p0 s1  }
0x61: {  	[bflag:$0x3] =	sbarrier.arrive $0xFFFF  }
0x62: {  	_ =	shalt  }

// kernel: kernel.9.cloned.1.call-start
scs
__scs_entry_jumppad:
0x0: {  	(pc) =	sbr.rel $0x88, $3  }
0x1: {  	(tag) =	ssettag $0x0;
	lr =	simm.s32 $0x1  }
0x2: {  	[smem:$0x3F97] =	sst lr;
	_ =	strace $0xD0000000  }
0x3: {  	_ = 	snop  }
0x4: {  	_ = 	snop  }
0x5: {  	_ = 	snop  }
0x6: {  	_ = 	snop  }
0x7: {  	_ = 	snop  }
__scs_overlays_trampoline_lowered:
0x8: {  	[smem:$0x3FA6] =	sst s0  }
0x9: {  	[smem:$0x3FA7] =	sst s1  }
0xa: {  	[smem:$0x3FA8] =	sst s2  }
0xb: {  	[smem:$0x3FA9] =	sst s3  }
0xc: {  	[smem:$0x3FAA] =	sst s4  }
0xd: {  	[smem:$0x3FAB] =	sst s5  }
0xe: {  	[smem:$0x3FAC] =	sst s6  }
0xf: {  	[smem:$0x3FAD] =	sst s7  }
0x10: {  	[smem:$0x3FAE] =	sst s8  }
0x11: {  	[smem:$0x3FAF] =	sst s9;
	s0 =	simm.s32 @!p0 $0x0  }
0x12: {  	s1 =	sld [smem:$0x3F95];
	s0 =	simm.s32 @p0 $0x1  }
0x13: {  	[smem:$0x3FB0] =	sst s0;
	s0 =	simm.s32 @!p1 $0x0  }
0x14: {  	s2 =	sld [smem:$0x3F94];
	s0 =	simm.s32 @p1 $0x1  }
0x15: {  	[smem:$0x3FB1] =	sst s0;
	s0 =	simm.s32 @!p2 $0x0  }
0x16: {  	s3 =	sld [smem:$0x3FDB];
	s0 =	simm.s32 @p2 $0x1  }
0x17: {  	s4 =	simm.s32 $0x1BF5;
	[smem:$0x3FB3] =	sst s0  }
0x18: {  	s0 =	sld [smem:$0x3F96];
	_ =	swait.ge [sflag:s4], $0x0  }
0x19: {  	s7 =	sld [smem:$0x3F97]  }
0x1a: {  	s8 =	sadd.s32 $0xFFFFE003, lr  }
0x1b: {  	s9 =	sadd.s32 $0xFFFFFEF7, lr;
	s5 =	simm.s32 $0xFFFFFFFF;
	p2 =	slt.u32 s8, $0xFFFFF086  }
0x1c: {  	p1 =	slt.u32 s9, $0xF7A;
	s5 =	simm.s32 @!p2 $0x0  }
0x1d: {  	s5 =	simm.s32 @p1 $0x1;
	p0 =	seq.s32 s7, s2  }
0x1e: {  	s7 =	smul.u32 @!p0 $0xF7A, s2;
	p2 =	seq.s32 @!p0 s5, $0x0  }
0x1f: {  	s9 =	smul.u32 $0xF7A, s1;
	s8 =	simm.s32 @!p0 $0x1BF5;
	p2 =	por !p2, p0  }
0x20: {  	[sflag:s8] =	ssyncset.s32 @!p0 $0xFFFFF086;
	s6 =	sadd.s32 @!p0 s3, s7;
	s7 =	simm.s32 @!p0 $0x108  }
0x21: {  	s3 =	sadd.s32 s3, s9;
	s6 =	sadd.s32 @!p0 $0x88, s6;
	s7 =	simm.s32 @p2 $0x1082  }
0x22: {  	[simem:s7], [sflag:s8] =	dma.local @!p0 [hbm:s6], $0xF7A  }
0x23: {  	s9 =	sor.u32 $0xD0000000, s2;
	s6 =	simm.s32 $0x108;
	_ =	swait.ge @!p0 [sflag:s8], $0x0  }
0x24: {  	s3 =	sadd.s32 $0x88, s3;
	s6 =	simm.s32 @!p1 $0x1082;
	[sflag:s4] =	ssyncset.s32 $0xFFFFF086  }
0x25: {  	[simem:s6], [sflag:s4] =	dma.local [hbm:s3], $0xF7A  }
0x26: {  	[smem:$0x3F97] =	sst s1;
	(tag) =	ssettag s2;
	_ =	strace s9  }
0x27: {  	s1 =	sld [smem:$0x3FA7]  }
0x28: {  	s2 =	sld [smem:$0x3FA8]  }
0x29: {  	s4 =	sld [smem:$0x3FAA]  }
0x2a: {  	p0 =	seq.s32 s5, $0x0;
	s5 =	sld [smem:$0x3FAB]  }
0x2b: {  	s6 =	sld [smem:$0x3FAC]  }
0x2c: {  	s7 =	sld [smem:$0x3FAD]  }
0x2d: {  	s3 =	simm.s32 $0x108;
	s8 =	sld [smem:$0x3FAE]  }
0x2e: {  	s3 =	simm.s32 @!p0 $0x1082;
	s9 =	sld [smem:$0x3FAF]  }
0x2f: {  	lr =	sadd.s32 s0, s3;
	s0 =	sld [smem:$0x3FA6]  }
0x30: {  	s3 =	sld [smem:$0x3FA9]  }
0x31: {  	[smem:$0x3FB2] =	sst s10  }
0x32: {  	s10 =	sld [smem:$0x3FB0];
	_ =	sdelay $0x3  }
0x33: {  	p0 =	seq.s32 s10, $0x1;
	s10 =	sld [smem:$0x3FB2];
	_ =	sdelay $0x3  }
0x34: {  	[smem:$0x3FB2] =	sst s10  }
0x35: {  	s10 =	sld [smem:$0x3FB1];
	_ =	sdelay $0x3  }
0x36: {  	p1 =	seq.s32 s10, $0x1;
	s10 =	sld [smem:$0x3FB2];
	_ =	sdelay $0x3  }
0x37: {  	[smem:$0x3FB2] =	sst s10  }
0x38: {  	s10 =	sld [smem:$0x3FB3]  }
0x39: {  	_ = 	snop;
	(pc) =	sbr.ind lr, $3  }
0x3a: {  	_ = 	snop  }
0x3b: {  	_ = 	snop  }
0x3c: {  	p2 =	seq.s32 s10, $0x1;
	s10 =	sld [smem:$0x3FB2]  }
0x3d: {  	_ =	shalt  }
0x3e: {  	_ =	shalt  }
0x3f: {  	_ =	shalt  }
0x40: {  	_ =	shalt  }
0x41: {  	_ =	shalt  }
0x42: {  	_ =	shalt  }
0x43: {  	_ =	shalt  }
0x44: {  	_ =	shalt  }
0x45: {  	_ =	shalt  }
0x46: {  	_ =	shalt  }
0x47: {  	_ =	shalt  }
0x48: {  	_ =	shalt  }
0x49: {  	_ =	shalt  }
0x4a: {  	_ =	shalt  }
0x4b: {  	_ =	shalt  }
0x4c: {  	_ =	shalt  }
0x4d: {  	_ =	shalt  }
0x4e: {  	_ =	shalt  }
0x4f: {  	_ =	shalt  }
0x50: {  	_ =	shalt  }
0x51: {  	_ =	shalt  }
0x52: {  	_ =	shalt  }
0x53: {  	_ =	shalt  }
0x54: {  	_ =	shalt  }
0x55: {  	_ =	shalt  }
0x56: {  	_ =	shalt  }
0x57: {  	_ =	shalt  }
0x58: {  	_ =	shalt  }
0x59: {  	_ =	shalt  }
0x5a: {  	_ =	shalt  }
0x5b: {  	_ =	shalt  }
0x5c: {  	_ =	shalt  }
0x5d: {  	_ =	shalt  }
0x5e: {  	_ =	shalt  }
0x5f: {  	_ =	shalt  }
0x60: {  	_ =	shalt  }
0x61: {  	_ =	shalt  }
0x62: {  	_ =	shalt  }
0x63: {  	_ =	shalt  }
0x64: {  	_ =	shalt  }
0x65: {  	_ =	shalt  }
0x66: {  	_ =	shalt  }
0x67: {  	_ =	shalt  }
0x68: {  	_ =	shalt  }
0x69: {  	_ =	shalt  }
0x6a: {  	_ =	shalt  }
0x6b: {  	_ =	shalt  }
0x6c: {  	_ =	shalt  }
0x6d: {  	_ =	shalt  }
0x6e: {  	_ =	shalt  }
0x6f: {  	_ =	shalt  }
0x70: {  	_ =	shalt  }
0x71: {  	_ =	shalt  }
0x72: {  	_ =	shalt  }
0x73: {  	_ =	shalt  }
0x74: {  	_ =	shalt  }
0x75: {  	_ =	shalt  }
0x76: {  	_ =	shalt  }
0x77: {  	_ =	shalt  }
0x78: {  	_ =	shalt  }
0x79: {  	_ =	shalt  }
0x7a: {  	_ =	shalt  }
0x7b: {  	_ =	shalt  }
0x7c: {  	_ =	shalt  }
0x7d: {  	_ =	shalt  }
0x7e: {  	_ =	shalt  }
0x7f: {  	_ =	shalt  }
0x80: {  	_ =	shalt  }
0x81: {  	_ =	shalt  }
0x82: {  	_ =	shalt  }
0x83: {  	_ =	shalt  }
0x84: {  	_ =	shalt  }
0x85: {  	_ =	shalt  }
0x86: {  	_ =	shalt  }
0x87: {  	_ =	shalt  }
.Lfunc_end0:
.L_simem_size_0:
called_computation.1_lowered:
.L_overlay_start_0:
0x88: {  	s2 =	sld [smem:$0x3FD9]  }
0x89: {  	s3 =	sld [smem:$0x3FFE];
	_ =	sdelay $0x1  }
0x8a: {  	s1 =	srdreg.scid  }
0x8b: {  	s0 =	sand.u32 $0x1, s1  }
0x8c: {  	s17 =	sshll.u32 s0, $0xA;
	s2 =	sadd.s32 s3, s2  }
0x8d: {  	s2 =	sadd.s32 s2, s17  }
0x8e: {  	[smem:$0x3FBE] =	sst s2  }
0x8f: {  	_ = 	snop  }
0x90: {  	s2 =	sld [smem:$0x3FD0];
	(tm) =	ssettm $0x1  }
0x91: {  	s18 =	sld [smem:$0x3FFB];
	_ =	sdelay $0x3  }
0x92: {  	_ =	strace s18  }
0x93: {  	s3 =	sld [smem:$0x3FFC];
	_ =	sdelay $0x3  }
0x94: {  	_ =	strace s3  }
0x95: {  	s3 =	sld [smem:$0x3FFD];
	_ =	sdelay $0x3  }
0x96: {  	_ =	strace s3  }
0x97: {  	_ =	strace $0x8FFFFFFF  }
0x98: {  	s19 =	sld [smem:$0x3FDB];
	_ =	sdelay $0x1  }
0x99: {  	s4 =	simm.s32 $_scs_section_size  }
0x9a: {  	s5 =	simm.s32 $_size__tile_overlayer_lowered;
	s6 =	simm.s32 $_tile_overlayer_lowered  }
0x9b: {  	s22 =	simm.s32 $0x1BFF;
	s21 =	sshll.u32 s6, $0x1;
	s3 =	sadd.s32 s4, s19  }
0x9c: {  	s7 =	simm.s32 $0x0;
	s20 =	sshll.u32 s5, $0x1;
	s5 =	sadd.s32 s21, s3  }
0x9d: {  	[timem:s7], [sflag:s22] =	dma.local [hbm:s5], s20  }
0x9e: {  	_ =	swait.ge [sflag:s22], s20  }
0x9f: {  	s4 =	ssub.s32 $0x0, s20;
	[sflag:s22] =	ssyncset.done $0x0  }
0xa0: {  	[sflag:s22] =	ssyncadd.s32 s4;
	_ =	sdelay $0x1  }
0xa1: {  	s23 =	simm.s32 $0x1B8B  }
0xa2: {  	_ =	swait.ge [sflag:s23], $0x1  }
0xa3: {  	[sflag:s23] =	ssyncset.done $0x0  }
0xa4: {  	s25 =	simm.s32 $0x1B8E;
	s24 =	sld [smem:$0x3FFE];
	[sflag:s23] =	ssyncadd.s32 $0xFFFFFFFF  }
0xa5: {  	s26 =	simm.s32 $execute0_lowered;
	[smem:$0x3FD2] =	sst s25  }
0xa6: {  	s5 =	sshll.u32 s26, $0x1;
	_ =	strace $0x80000049;
	[dreg:$0x1] =	wrdreg $0xFFFFFFFF  }
0xa7: {  	s28 =	simm.s32 $_size_execute0_lowered;
	s3 =	sadd.s32 s3, s5;
	[dreg:$0x0] =	wrdreg $0x0  }
0xa8: {  	s5 =	sshll.u32 s28, $0x1;
	[dreg:$0x2] =	wrdreg s3  }
0xa9: {  	[dreg:$0x3] =	wrdreg s5  }
0xaa: {  	[dreg:$0x4] =	wrdreg $0xC0  }
0xab: {  	_ =	task [dreg:s7], $0x5FFFF  }
0xac: {  	[dreg:$0x1] =	wrdreg $0xFFFFFFFF  }
0xad: {  	[dreg:$0x0] =	wrdreg $0x60  }
0xae: {  	[dreg:$0x2] =	wrdreg s2  }
0xaf: {  	[dreg:$0x3] =	wrdreg s24  }
0xb0: {  	[dreg:$0x4] =	wrdreg $0x90000  }
0xb1: {  	[dreg:$0x5] =	wrdreg $0x9  }
0xb2: {  	_ =	task.clear_ibuf [dreg:s7], $0x6FFFF;
	_ =	strace $0x90000049  }
0xb3: {  	s29 =	simm.s32 $0x9;
	_ =	strace $0x8000004B  }
0xb4: {  	_ =	swait.ge [sflag:s29], $0x1  }
0xb5: {  	[sflag:s29] =	ssyncadd.s32 $0xFFFFFFFF  }
0xb6: {  	_ =	strace $0x9000004B  }
0xb7: {  	_ =	sfence  }
0xb8: {  	s30 =	sld [smem:$0x0];
	_ =	sdelay $0x2  }
0xb9: {  	s31 =	sshll.u32 s1, $0xD;
	s1 =	sshrl.u32 s1, $0x2  }
0xba: {  	s3 =	sand.u32 $0x4000, s31;
	s1 =	sadd.s32 s1, s30  }
0xbb: {  	s0 =	sor.u32 s3, s0;
	s1 =	sshll.u32 s1, $0x11  }
0xbc: {  	s0 =	sor.u32 s1, s0  }
0xbd: {  	s0 =	sadd.s32 $0x8F2B, s0  }
0xbe: {  	[sflag:s0] =	ssyncadd.remote.s32 $0x1  }
0xbf: {  	_ =	sfence.sel $0xFFFF  }
0xc0: {  	[dreg:$0x0] =	wrdreg $0xFFFFFFFF;
	(pc) =	sbr.abs _section_cstart, $3  }
0xc1: {  	[dreg:$0x1] =	wrdreg $0xFFFFFFFF  }
0xc2: {  	_ =	task.clear_ibuf [dreg:s7], $0x2FFFF;
	_ =	strace $0x9FFFFFFF  }
0xc3: {  	(tm) =	ssettm $0x7FFFFFFF  }
tec
execute0_lowered:
.L_overlay_start_1:
0x0: {  	(tag) =	ssettag $0x1  }
0x1: {  	s1 =	rddreg [dreg:$0x0]  }
0x2: {  	s2 =	srdreg.scid;
	s6 =	rddreg [dreg:$0x1]  }
0x3: {  	s0 =	stileid.u32;
	s3 =	rddreg [dreg:$0x2]  }
0x4: {  	s4 =	simm.s32 $0x0;
	s14 =	simm.s32 $0x2;
	s15 =	simm.s32 $0x2800  }
0x5: {  	s16 =	simm.s32 $0x5000;
	s17 =	simm.s32 $0x80;
	s18 =	simm.s32 $0x1  }
0x6: {  	s21 =	simm.s32 $0x0;
	s5 =	sand.u32 $0x1, s2;
	s8 =	smul.u32 $0x2780, s0  }
0x7: {  	s29 =	sshll.u32 s0, $0x1;
	[smem:$0x7FF] =	sst s4;
	s10 =	smul.u32 $0x4F000, s0  }
0x8: {  	s19 =	sshll.u32 s0, $0x6;
	s2 =	sor.u32 s5, s29;
	s9 =	smul.u32 $0x27800, s5  }
0x9: {  	s5 =	ssub.s32 $0x2, s5;
	s19 =	sor.u32 $0x1C02, s19;
	s7 =	smul.u32 $0x500, s2  }
0xa: {  	s2 =	rddreg [dreg:$0x3];
	_ =	strace $0x8000004A;
	s30 =	sshrl.u32 s5, $0x1  }
0xb: {  	s31 =	sshrl.u32 s10, $0x2;
	s8 =	sadd.s32 s8, s9;
	s13 =	ssub.s32 s5, s30  }
0xc: {  	s7 =	sadd.s32 s7, s6;
	s12 =	sadd.s32 s8, s6;
	s13 =	smax.u32 s13, $0x1  }
0xd: {  	s5 =	sadd.s32 $0xC000, s7;
	s6 =	sadd.s32 $0x2000, s7;
	s7 =	sadd.s32 s31, s3  }
0xe: {  	s12 =	sadd.s32 $0x16000, s12;
	s8 =	sadd.s32 $0x4000, s7;
	s9 =	sadd.s32 $0x8000, s7  }
0xf: {  	v0 =	vimm.f32 $0.0e+00;
	s10 =	sadd.s32 $0xC000, s7;
	s11 =	sadd.s32 $0x10000, s7;
	s20 =	sshrl.u32 s7, $0x3  }
.LBB2_1:
0x10: {  	[tilespmem:s4], [sflag:$0x2] =	stream.linear.gather [hbm4b:s5+s4], $0x2780, $0x38;
	[tilespmem:$0x1CC00] =	vst v63  }
0x11: {  	_ =	swait.ge [sflag:s14], $0x2780  }
0x12: {  	[sflag:s14] =	ssyncset.done $0x0  }
0x13: {  	[sflag:s14] =	ssyncadd.s32 $0xFFFFD880  }
0x14: {  	[tilespmem:s15], [sflag:$0x2] =	stream.linear.gather [hbm4b:s6+s4], $0x2780, $0x38;
	[tilespmem:$0x1CC00] =	vst v63  }
0x15: {  	s22 =	sand.u32 $0xFE00, s4;
	s23 =	sand.u32 $0x70, s4;
	_ =	swait.ge [sflag:s14], $0x2780  }
0x16: {  	s24 =	sshrl.u32 s22, $0x2;
	s22 =	simm.s32 $0x40;
	[sflag:s14] =	ssyncset.done $0x0  }
0x17: {  	s24 =	sor.u32 s23, s24;
	s23 =	simm.s32 $0x0;
	[sflag:s14] =	ssyncadd.s32 $0xFFFFD880  }
.LBB2_2:
0x18: {  	p0 =	sne.s32 s22, $0xFFC0  }
0x19: {  	[tilespmem:s24+$0x5000] =	vst v0;
	s23 =	sadd.s32 $0x10, s23;
	s24 =	smov.u32 s22;
	s22 =	sadd.s32 $0x40, s22  }
.Ltmp0:
0x1a: {  	(pc) =	sbr.rel @p0 .LBB2_2-.Ltmp0, $4  }
0x1b: {  	_ = 	snop  }
0x1c: {  	s24 =	sand.u32 $0xFE00, s24  }
0x1d: {  	s25 =	sand.u32 $0x70, s23;
	s24 =	sshrl.u32 s24, $0x2  }
0x1e: {  	s24 =	sor.u32 s25, s24  }
0x1f: {  	[tilespmem:s24+$0x5000] =	vst v0  }
0x20: {  	[spmem:s7] =	stream.linear.scatter [tilespmem:s16], [sflag:$0x2], $0x4000, $0x38;
	[tilespmem:$0x1CC00] =	vst v63  }
0x21: {  	_ =	swait.ge [sflag:s14], $0x4000  }
0x22: {  	[sflag:s14] =	ssyncset.done $0x0  }
0x23: {  	[sflag:s14] =	ssyncadd.s32 $0xFFFFC000  }
0x24: {  	[spmem:s8] =	stream.linear.scatter [tilespmem:s16], [sflag:$0x2], $0x4000, $0x38;
	[tilespmem:$0x1CC00] =	vst v63  }
0x25: {  	_ =	swait.ge [sflag:s14], $0x4000  }
0x26: {  	[sflag:s14] =	ssyncset.done $0x0  }
0x27: {  	[sflag:s14] =	ssyncadd.s32 $0xFFFFC000  }
0x28: {  	[spmem:s9] =	stream.linear.scatter [tilespmem:s16], [sflag:$0x2], $0x4000, $0x38;
	[tilespmem:$0x1CC00] =	vst v63  }
0x29: {  	_ =	swait.ge [sflag:s14], $0x4000  }
0x2a: {  	[sflag:s14] =	ssyncset.done $0x0  }
0x2b: {  	[sflag:s14] =	ssyncadd.s32 $0xFFFFC000  }
0x2c: {  	[spmem:s10] =	stream.linear.scatter [tilespmem:s16], [sflag:$0x2], $0x4000, $0x38;
	[tilespmem:$0x1CC00] =	vst v63  }
0x2d: {  	_ =	swait.ge [sflag:s14], $0x4000  }
0x2e: {  	[sflag:s14] =	ssyncset.done $0x0  }
0x2f: {  	[sflag:s14] =	ssyncadd.s32 $0xFFFFC000  }
0x30: {  	[spmem:s11] =	stream.linear.scatter [tilespmem:s16], [sflag:$0x2], $0x3C00, $0x38;
	[tilespmem:$0x1CC00] =	vst v63  }
0x31: {  	_ =	swait.ge [sflag:s14], $0x3C00  }
0x32: {  	[sflag:s14] =	ssyncset.done $0x0  }
0x33: {  	[sflag:s14] =	ssyncadd.s32 $0xFFFFC400  }
0x34: {  	s22 =	simm.s32 $0x0;
	[bflag:$0x0] =	sbarrier.arrive $0xFFFF  }
0x35: {  	[tilespmem:s16], [sflag:$0x1] =	stream.indirect.gather [hbm4b:s1+s17], $0x80, s22, s17, $0xb8;
	[tilespmem:$0x1CC00] =	vst v63  }
0x36: {  	_ =	swait.ge [sflag:s18], $0x4000  }
0x37: {  	[sflag:s18] =	ssyncset.done $0x0  }
0x38: {  	s31 =	simm.s32 $0x2800;
	[sflag:s18] =	ssyncadd.s32 $0xFFFFC000  }
0x39: {  	[spmem:s3] =	stream.indirect.scatter.add.f32 [tilespmem:s16], [sflag:$0x2], $0x80, s31, s17, $0xb8;
	[tilespmem:$0x1CC00] =	vst v63  }
0x3a: {  	_ =	swait.ge [sflag:s14], $0x4000  }
0x3b: {  	s23 =	simm.s32 $0x400;
	s22 =	simm.s32 $0x200;
	[sflag:s14] =	ssyncset.done $0x0  }
.LBB2_4:
0x3c: {  	s24 =	sshra.s32 s22, $0x2  }
0x3d: {  	[sflag:s14] =	ssyncadd.s32 $0xFFFFC000;
	s22 =	smov.u32 s23;
	s25 =	sadd.s32 $0x200, s23  }
0x3e: {  	[tilespmem:s16], [sflag:$0x1] =	stream.indirect.gather [hbm4b:s1+s17], $0x80, s24, s17, $0xb8;
	[tilespmem:$0x1CC00] =	vst v63  }
0x3f: {  	p0 =	sne.s32 s23, $0x9C00;
	_ =	swait.ge [sflag:s18], $0x4000  }
.Ltmp1:
0x40: {  	[sflag:s18] =	ssyncset.done $0x0;
	(pc) =	sbr.rel @p0 .LBB2_4-.Ltmp1, $4  }
0x41: {  	s23 =	sadd.s32 $0x2800, s24;
	[sflag:s18] =	ssyncadd.s32 $0xFFFFC000  }
0x42: {  	[spmem:s3] =	stream.indirect.scatter.add.f32 [tilespmem:s16], [sflag:$0x2], $0x80, s23, s17, $0xb8;
	[tilespmem:$0x1CC00] =	vst v63  }
0x43: {  	_ =	swait.ge [sflag:s14], $0x4000  }
0x44: {  	s23 =	smov.u32 s25;
	[sflag:s14] =	ssyncset.done $0x0  }
0x45: {  	s22 =	sshra.s32 s22, $0x2;
	[sflag:s14] =	ssyncadd.s32 $0xFFFFC000  }
0x46: {  	[tilespmem:s16], [sflag:$0x1] =	stream.indirect.gather [hbm4b:s1+s17], $0x80, s22, s17, $0xb8;
	[tilespmem:$0x1CC00] =	vst v63  }
0x47: {  	_ =	swait.ge [sflag:s18], $0x4000  }
0x48: {  	[sflag:s18] =	ssyncset.done $0x0  }
0x49: {  	s22 =	sadd.s32 $0x2800, s22;
	[sflag:s18] =	ssyncadd.s32 $0xFFFFC000  }
0x4a: {  	[spmem:s3] =	stream.indirect.scatter.add.f32 [tilespmem:s16], [sflag:$0x2], $0x80, s22, s17, $0xb8;
	[tilespmem:$0x1CC00] =	vst v63  }
0x4b: {  	_ =	swait.ge [sflag:s14], $0x4000  }
0x4c: {  	s21 =	sadd.s32 $0x1, s21;
	[sflag:s14] =	ssyncset.done $0x0  }
0x4d: {  	p0 =	sne.s32 s21, s13;
	[sflag:s14] =	ssyncadd.s32 $0xFFFFC000  }
.Ltmp2:
0x4e: {  	[bflag:$0x0] =	sbarrier.arrive $0xFFFF;
	(pc) =	sbr.rel @p0 .LBB2_1-.Ltmp2, $4  }
0x4f: {  	[hbm:s12], [sflag:s19] =	dma.local [spmem:s20], $0x2780  }
0x50: {  	_ =	swait.ge [sflag:s14], $0x2780  }
0x51: {  	[sflag:s14] =	ssyncset.done $0x0  }
0x52: {  	[sflag:s14] =	ssyncadd.s32 $0xFFFFD880  }
0x53: {  	_ =	sfence.sel $0x180000  }
0x54: {  	[bflag:$0x0] =	sbarrier.arrive $0xFFFF  }
0x55: {  	p0 =	sne.s32 s0, $0x0;
	_ =	strace $0x9000004A  }
0x56: {  	s0 =	sadd.s32 @!p0 $0x100000, s2;
	[bflag:$0x2] =	sbarrier.arrive $0xFFFF  }
0x57: {  	[sflag:s0] =	ssyncadd.tile.s32 @!p0 $0x1;
	_ =	shalt  }
.Lfunc_end2:
_tile_overlayer_lowered:
.L_overlay_start_2:
0x58: {  	(tag) =	ssettag $0x2  }
0x59: {  	s0 =	rddreg [dreg:$0x0];
	s2 =	stileid.u32  }
0x5a: {  	s1 =	rddreg [dreg:$0x1];
	p0 =	sne.s32 s2, $0x0  }
0x5b: {  	s3 =	rddreg [dreg:$0x2];
	[bflag:$0x3] =	sbarrier.arrive $0xFFFF;
	s2 =	simm.s32 @!p0 $0x1C02  }
0x5c: {  	[timem:s3], [sflag:s2] =	dma.local @!p0 [hbm:s0], s1  }
0x5d: {  	s0 =	simm.s32 @!p0 $0x2  }
0x5e: {  	_ =	swait.ge @!p0 [sflag:s0], s1  }
0x5f: {  	s1 =	ssub.s32 @!p0 $0x0, s1;
	[sflag:s0] =	ssyncset.done @!p0 $0x0  }
0x60: {  	[sflag:s0] =	ssyncadd.s32 @!p0 s1  }
0x61: {  	[bflag:$0x3] =	sbarrier.arrive $0xFFFF  }
0x62: {  	_ =	shalt  }

</sc_bundles>
